<compile_context>
chip_gen: v7x
topology: tpu7x:2x2x1
jax: 0.10.2.dev20260603
libtpu: 0.0.44.dev20260713+nightly
codegen_flags: <defaults>
</compile_context>

<pallas_src>
import jax
import jax.numpy as jnp
from jax import lax
from jax.experimental import pallas as pl
from jax.experimental.pallas import tpu as pltpu
from jax.experimental.pallas import tpu_sc as plsc

N = 10000
E = 320000
IN_DIM = 128
HID_DIM = 1024
OUT_DIM = 40
OUT_PAD = 48

NC, NS, LANES = 2, 16, 16
NW = NC * NS
CHUNK = 64
NCH = 160
NBUF = 6
COL = 64
E_PAD = NW * NCH * CHUNK
N_PAD = 10240
STRIPE = N_PAD // NS
PAD_ROW = N
DEG_W = 8

_vmesh = plsc.VectorSubcoreMesh(core_axis_name="c", subcore_axis_name="s")
_sc_params = pltpu.CompilerParams(use_tc_tiling_on_sc=False)



def _deg_body(dst_hbm, zeros_hbm, ones_hbm, out_hbm, idx_v, ones_v, deg_sh,
              ssems):
    cid = lax.axis_index("c")
    sid = lax.axis_index("s")
    wid = sid * NC + cid
    row0 = sid * STRIPE
    pltpu.sync_copy(zeros_hbm.at[pl.ds(row0, STRIPE)],
                    deg_sh.at[pl.ds(row0, STRIPE)])
    pltpu.sync_copy(dst_hbm.at[pl.ds(wid * NCH, NCH)], idx_v)
    pltpu.sync_copy(ones_hbm, ones_v)
    plsc.subcore_barrier()

    @pl.loop(0, NCH)
    def _(j):
        b = lax.rem(j, NBUF)

        @pl.when(j >= NBUF)
        def _():
            pltpu.make_async_copy(ones_v, deg_sh.at[idx_v.at[0]],
                                  ssems.at[b]).wait()
        pltpu.async_copy(ones_v, deg_sh.at[idx_v.at[j]], ssems.at[b], add=True)

    @pl.loop(0, NBUF)
    def _(b):
        pltpu.make_async_copy(ones_v, deg_sh.at[idx_v.at[0]],
                              ssems.at[b]).wait()

    plsc.subcore_barrier()
    pltpu.sync_copy(deg_sh.at[pl.ds(row0, STRIPE)],
                    out_hbm.at[cid, pl.ds(row0, STRIPE)])


def _agg_body(y_hbm, src_hbm, dst_hbm, zeros_hbm, out_hbm,
              idxs_v, idxd_v, rows_v, y_sh, z_sh, sems):
    cid = lax.axis_index("c")
    sid = lax.axis_index("s")
    wid = sid * NC + cid
    row0 = sid * STRIPE
    pltpu.sync_copy(y_hbm.at[pl.ds(row0, STRIPE)], y_sh.at[pl.ds(row0, STRIPE)])
    pltpu.sync_copy(zeros_hbm.at[pl.ds(row0, STRIPE)],
                    z_sh.at[pl.ds(row0, STRIPE)])
    pltpu.sync_copy(src_hbm.at[pl.ds(wid * NCH, NCH)], idxs_v)
    pltpu.sync_copy(dst_hbm.at[pl.ds(wid * NCH, NCH)], idxd_v)
    plsc.subcore_barrier()

    @pl.loop(0, NBUF)
    def _(b):
        pltpu.async_copy(y_sh.at[idxs_v.at[b]], rows_v.at[b], sems.at[b])

    @pl.loop(0, NCH - NBUF)
    def _(j):
        b = lax.rem(j, NBUF)
        pltpu.make_async_copy(y_sh.at[idxs_v.at[0]], rows_v.at[b],
                              sems.at[b]).wait()
        pltpu.sync_copy(rows_v.at[b], z_sh.at[idxd_v.at[j]], add=True)
        pltpu.async_copy(y_sh.at[idxs_v.at[j + NBUF]], rows_v.at[b], sems.at[b])

    @pl.loop(NCH - NBUF, NCH)
    def _(j):
        b = lax.rem(j, NBUF)
        pltpu.make_async_copy(y_sh.at[idxs_v.at[0]], rows_v.at[b],
                              sems.at[b]).wait()
        pltpu.sync_copy(rows_v.at[b], z_sh.at[idxd_v.at[j]], add=True)

    plsc.subcore_barrier()
    pltpu.sync_copy(z_sh.at[pl.ds(row0, STRIPE)],
                    out_hbm.at[cid, pl.ds(row0, STRIPE)])


def _agg2pass_body(ylo_hbm, yhi_hbm, src_hbm, dst_hbm, zeros_hbm,
                   outlo_hbm, outhi_hbm, idxs_v, idxd_v, rows_v, y_sh, z_sh,
                   sems):
    cid = lax.axis_index("c")
    sid = lax.axis_index("s")
    wid = sid * NC + cid
    row0 = sid * STRIPE
    pltpu.sync_copy(src_hbm.at[pl.ds(wid * NCH, NCH)], idxs_v)
    pltpu.sync_copy(dst_hbm.at[pl.ds(wid * NCH, NCH)], idxd_v)

    for y_hbm, out_hbm in ((ylo_hbm, outlo_hbm), (yhi_hbm, outhi_hbm)):
        pltpu.sync_copy(y_hbm.at[pl.ds(row0, STRIPE)],
                        y_sh.at[pl.ds(row0, STRIPE)])
        pltpu.sync_copy(zeros_hbm.at[pl.ds(row0, STRIPE)],
                        z_sh.at[pl.ds(row0, STRIPE)])
        plsc.subcore_barrier()

        @pl.loop(0, NBUF)
        def _(b):
            pltpu.async_copy(y_sh.at[idxs_v.at[b]], rows_v.at[b], sems.at[b])

        @pl.loop(0, NCH - NBUF)
        def _(j):
            b = lax.rem(j, NBUF)
            pltpu.make_async_copy(y_sh.at[idxs_v.at[0]], rows_v.at[b],
                                  sems.at[b]).wait()
            pltpu.sync_copy(rows_v.at[b], z_sh.at[idxd_v.at[j]], add=True)
            pltpu.async_copy(y_sh.at[idxs_v.at[j + NBUF]], rows_v.at[b],
                             sems.at[b])

        @pl.loop(NCH - NBUF, NCH)
        def _(j):
            b = lax.rem(j, NBUF)
            pltpu.make_async_copy(y_sh.at[idxs_v.at[0]], rows_v.at[b],
                                  sems.at[b]).wait()
            pltpu.sync_copy(rows_v.at[b], z_sh.at[idxd_v.at[j]], add=True)

        plsc.subcore_barrier()
        pltpu.sync_copy(z_sh.at[pl.ds(row0, STRIPE)],
                        out_hbm.at[cid, pl.ds(row0, STRIPE)])
        plsc.subcore_barrier()


def _sc_aggregate_2pass(ylo, yhi, src2d, dst2d, zerosD):
    return pl.kernel(
        _agg2pass_body,
        out_type=[jax.ShapeDtypeStruct((NC, N_PAD, COL), jnp.float32),
                  jax.ShapeDtypeStruct((NC, N_PAD, COL), jnp.float32)],
        mesh=_vmesh,
        scratch_types=[
            pltpu.VMEM((NCH, CHUNK), jnp.int32),
            pltpu.VMEM((NCH, CHUNK), jnp.int32),
            pltpu.VMEM((NBUF, CHUNK, COL), jnp.float32),
            pltpu.VMEM_SHARED((N_PAD, COL), jnp.float32),
            pltpu.VMEM_SHARED((N_PAD, COL), jnp.float32),
            pltpu.SemaphoreType.DMA((NBUF,)),
        ],
        compiler_params=_sc_params,
    )(ylo, yhi, src2d, dst2d, zerosD)


def _sc_degree(dst2d, zeros16, ones8):
    return pl.kernel(
        _deg_body,
        out_type=jax.ShapeDtypeStruct((NC, N_PAD, DEG_W), jnp.float32),
        mesh=_vmesh,
        scratch_types=[
            pltpu.VMEM((NCH, CHUNK), jnp.int32),
            pltpu.VMEM((CHUNK, DEG_W), jnp.float32),
            pltpu.VMEM_SHARED((N_PAD, DEG_W), jnp.float32),
            pltpu.SemaphoreType.DMA((NBUF,)),
        ],
        compiler_params=_sc_params,
    )(dst2d, zeros16, ones8)


def _sc_aggregate(y, src2d, dst2d, zerosD, d):
    return pl.kernel(
        _agg_body,
        out_type=jax.ShapeDtypeStruct((NC, N_PAD, d), jnp.float32),
        mesh=_vmesh,
        scratch_types=[
            pltpu.VMEM((NCH, CHUNK), jnp.int32),
            pltpu.VMEM((NCH, CHUNK), jnp.int32),
            pltpu.VMEM((NBUF, CHUNK, d), jnp.float32),
            pltpu.VMEM_SHARED((N_PAD, d), jnp.float32),
            pltpu.VMEM_SHARED((N_PAD, d), jnp.float32),
            pltpu.SemaphoreType.DMA((NBUF,)),
        ],
        compiler_params=_sc_params,
    )(y, src2d, dst2d, zerosD)



def _dinv_of(degp_ref):
    deg = degp_ref[0, :, 0:1] + degp_ref[1, :, 0:1] + 1.0
    return lax.rsqrt(jnp.maximum(deg, 1e-12))


def _scale_kernel(degp_ref, x_ref, ylo_ref, yhi_ref):
    y = x_ref[...] * _dinv_of(degp_ref)
    ylo_ref[...] = y[:, :COL]
    yhi_ref[...] = y[:, COL:]


def _mm_kernel(degp_ref, zlo_ref, zhi_ref, ylo_ref, yhi_ref, w1_ref, b1_ref,
               w2_ref, o_ref):
    dinv = _dinv_of(degp_ref)
    axlo = (zlo_ref[0] + zlo_ref[1] + ylo_ref[...]) * dinv
    axhi = (zhi_ref[0] + zhi_ref[1] + yhi_ref[...]) * dinv
    bf = jnp.bfloat16
    h = jnp.maximum(
        jnp.dot(axlo.astype(bf), w1_ref[:COL].astype(bf),
                preferred_element_type=jnp.float32)
        + jnp.dot(axhi.astype(bf), w1_ref[COL:].astype(bf),
                  preferred_element_type=jnp.float32)
        + b1_ref[...], 0.0)
    p = jnp.dot(h.astype(bf), w2_ref[...].astype(bf),
                preferred_element_type=jnp.float32)
    o_ref[...] = p * dinv


def _final_kernel(degp_ref, q_ref, y2_ref, b2_ref, o_ref):
    dinv = _dinv_of(degp_ref)
    o = (q_ref[0] + q_ref[1] + y2_ref[...]) * dinv
    o40 = o[:, :OUT_DIM] + b2_ref[...]
    m = jnp.max(o40, axis=1, keepdims=True)
    ls = m + jnp.log(jnp.sum(jnp.exp(o40 - m), axis=1, keepdims=True))
    o_ref[...] = o40 - ls


def _rows(blk, d1):
    return pl.BlockSpec((blk, d1), lambda i: (i, 0))


def _rows3(n0, blk, d1):
    return pl.BlockSpec((n0, blk, d1), lambda i: (0, i, 0))


def _full(d0, d1):
    return pl.BlockSpec((d0, d1), lambda i: (0, 0))



def kernel(x, edge_index, W1, b1, W2, b2):
    f32 = jnp.float32
    src = edge_index[0]
    dst = edge_index[1]
    pad = jnp.full((E_PAD - E,), PAD_ROW, jnp.int32)
    src2d = jnp.concatenate([src, pad]).reshape(E_PAD // CHUNK, CHUNK)
    dst2d = jnp.concatenate([dst, pad]).reshape(E_PAD // CHUNK, CHUNK)
    x_pad = jnp.zeros((N_PAD, IN_DIM), f32).at[:N].set(x)
    W2p = jnp.zeros((HID_DIM, OUT_PAD), f32).at[:, :OUT_DIM].set(W2)
    zeros16 = jnp.zeros((N_PAD, DEG_W), f32)
    ones8 = jnp.ones((CHUNK, DEG_W), f32)
    zeros64 = jnp.zeros((N_PAD, COL), f32)
    zeros48 = jnp.zeros((N_PAD, OUT_PAD), f32)

    degp = _sc_degree(dst2d, zeros16, ones8)

    ylo, yhi = pl.pallas_call(
        _scale_kernel,
        grid=(4,),
        in_specs=[_rows3(NC, 2560, DEG_W), _rows(2560, IN_DIM)],
        out_specs=[_rows(2560, COL), _rows(2560, COL)],
        out_shape=[jax.ShapeDtypeStruct((N_PAD, COL), f32),
                   jax.ShapeDtypeStruct((N_PAD, COL), f32)],
    )(degp, x_pad)

    zplo, zphi = _sc_aggregate_2pass(ylo, yhi, src2d, dst2d, zeros64)

    y2 = pl.pallas_call(
        _mm_kernel,
        grid=(4,),
        in_specs=[
            _rows3(NC, 2560, DEG_W),
            _rows3(NC, 2560, COL),
            _rows3(NC, 2560, COL),
            _rows(2560, COL),
            _rows(2560, COL),
            _full(IN_DIM, HID_DIM),
            _full(1, HID_DIM),
            _full(HID_DIM, OUT_PAD),
        ],
        out_specs=_rows(2560, OUT_PAD),
        out_shape=jax.ShapeDtypeStruct((N_PAD, OUT_PAD), f32),
    )(degp, zplo, zphi, ylo, yhi, W1, b1.reshape(1, HID_DIM), W2p)

    qp = _sc_aggregate(y2, src2d, dst2d, zeros48, OUT_PAD)

    out = pl.pallas_call(
        _final_kernel,
        grid=(5,),
        in_specs=[
            _rows3(NC, 2000, DEG_W),
            _rows3(NC, 2000, OUT_PAD),
            _rows(2000, OUT_PAD),
            _full(1, OUT_DIM),
        ],
        out_specs=_rows(2000, OUT_DIM),
        out_shape=jax.ShapeDtypeStruct((N, OUT_DIM), f32),
    )(degp, qp, y2, b2.reshape(1, OUT_DIM))
    return out

# --- scband reference (transcript-rebuilt; emitter-appended) ---
"""Pipeline reference for scband-gnnclassifier-15831249453219 (READ-ONLY COPY).

The authoritative reference and input builder live on the scoring server;
editing this copy changes nothing except your own understanding.
"""

import jax, jax.numpy as jnp
import numpy as np

N = 10000
E = 320000
IN_DIM = 128
HID_DIM = 1024
OUT_DIM = 40


def setup_inputs(seed: int = 0) -> dict:
    key = jax.random.key(seed)
    k1, k2, k3, k4 = jax.random.split(key, 4)
    x = jax.random.normal(k1, (N, IN_DIM), dtype=jnp.float32)
    edge_index = jax.random.randint(k2, (2, E), 0, N, dtype=jnp.int32)
    W1 = jax.random.normal(k3, (IN_DIM, HID_DIM), dtype=jnp.float32) * (1.0 / np.sqrt(IN_DIM))
    b1 = jnp.zeros((HID_DIM,), dtype=jnp.float32)
    W2 = jax.random.normal(k4, (HID_DIM, OUT_DIM), dtype=jnp.float32) * (1.0 / np.sqrt(HID_DIM))
    b2 = jnp.zeros((OUT_DIM,), dtype=jnp.float32)
    return {"x": x, "edge_index": edge_index, "W1": W1, "b1": b1, "W2": W2, "b2": b2}


def _gcn_conv(x, edge_index, W, b):
    # GCNConv: out = D^{-1/2} (A + I) D^{-1/2} X W + b
    src = edge_index[0]
    dst = edge_index[1]
    loop = jnp.arange(N, dtype=src.dtype)
    src = jnp.concatenate([src, loop])
    dst = jnp.concatenate([dst, loop])
    deg = jnp.zeros((N,), dtype=x.dtype).at[dst].add(1.0)
    dinv = jax.lax.rsqrt(jnp.maximum(deg, 1e-12))
    h = x @ W
    norm = (dinv[src] * dinv[dst])[:, None]
    msg = jnp.take(h, src, axis=0) * norm
    out = jnp.zeros((N, W.shape[1]), dtype=x.dtype).at[dst].add(msg)
    return out + b


def reference(x, edge_index, W1, b1, W2, b2):
    h = jax.nn.relu(_gcn_conv(x, edge_index, W1, b1))
    # dropout is identity in eval mode (training=False)
    o = _gcn_conv(h, edge_index, W2, b2)
    return jax.nn.log_softmax(o, axis=1)

if __name__ == "__main__":
    import jax
    _d = setup_inputs()
    print(jax.jit(kernel)(*tuple(_d.values())))

</pallas_src>

<mosaic_0001>
#map = affine_map<(d0, d1) -> (0, 0)>
#map1 = affine_map<(d0, d1) -> (0, 0, 0)>
module attributes {stable_mosaic.version = 14 : i64} {
  func.func @_deg_body(%arg0: i32, %arg1: i32, %arg2: memref<5120x64xi32, #tpu.memory_space<hbm>>, %arg3: memref<10240x8xf32, #tpu.memory_space<hbm>>, %arg4: memref<64x8xf32, #tpu.memory_space<hbm>>, %arg5: memref<2x10240x8xf32, #tpu.memory_space<hbm>>, %arg6: memref<160x64xi32, #tpu.memory_space<vmem>>, %arg7: memref<64x8xf32, #tpu.memory_space<vmem>>, %arg8: memref<10240x8xf32, #tpu.memory_space<vmem_shared>>, %arg9: memref<6x!tpu.dma_semaphore, #tpu.memory_space<semaphore_mem>>) attributes {dimension_semantics = [#tpu.dimension_semantics<core_parallel>, #tpu.dimension_semantics<subcore_parallel>], iteration_bounds = array<i64: 2, 16>, scalar_prefetch = 0 : i64, scratch_operands = 4 : i64, tpu.core_type = #tpu.core_type<sc_vector_subcore>, window_params = [{transform_indices = #map}, {transform_indices = #map}, {transform_indices = #map}, {transform_indices = #map1}]} {
    %mul3A = arith.constant 2 : i32
    %mul3A_0 = arith.muli %arg1, %mul3A : i32
    %add3A = arith.addi %mul3A_0, %arg0 : i32
    %mul3A_1 = arith.constant 640 : i32
    %mul3A_2 = arith.muli %arg1, %mul3A_1 : i32
    "tpu.region"() ({
      %run_scoped3A = tpu.sem_alloc : memref<!tpu.dma_semaphore, #tpu.memory_space<semaphore_mem>>
      %dma_start3A = arith.constant 0 : i32
      %dma_start3A_15 = tpu.memref_slice %arg8[%mul3A_2, %dma_start3A] : memref<10240x8xf32, #tpu.memory_space<vmem_shared>> -> memref<640x8xf32, #tpu.memory_space<vmem_shared>>
      %dma_start3A_16 = arith.constant 0 : i32
      %dma_start3A_17 = tpu.memref_slice %arg3[%mul3A_2, %dma_start3A_16] : memref<10240x8xf32, #tpu.memory_space<hbm>> -> memref<640x8xf32, #tpu.memory_space<hbm>>
      tpu.enqueue_dma source(%dma_start3A_17 : memref<640x8xf32, #tpu.memory_space<hbm>>) target(%dma_start3A_15 : memref<640x8xf32, #tpu.memory_space<vmem_shared>>) target_semaphore(%run_scoped3A : memref<!tpu.dma_semaphore, #tpu.memory_space<semaphore_mem>>)
      %dma_wait3A = arith.constant 0 : i32
      %dma_wait3A_18 = tpu.memref_slice %arg8[%mul3A_2, %dma_wait3A] : memref<10240x8xf32, #tpu.memory_space<vmem_shared>> -> memref<640x8xf32, #tpu.memory_space<vmem_shared>>
      %dma_wait3A_19 = arith.constant 0 : i32
      %dma_wait3A_20 = tpu.memref_slice %arg3[%mul3A_2, %dma_wait3A_19] : memref<10240x8xf32, #tpu.memory_space<hbm>> -> memref<640x8xf32, #tpu.memory_space<hbm>>
      tpu.wait_dma2 semaphore(%run_scoped3A : memref<!tpu.dma_semaphore, #tpu.memory_space<semaphore_mem>>) src(%dma_wait3A_20 : memref<640x8xf32, #tpu.memory_space<hbm>>) dst(%dma_wait3A_18 : memref<640x8xf32, #tpu.memory_space<vmem_shared>>)
      tpu.yield
    }) : () -> ()
    %mul3A_3 = arith.constant 160 : i32
    %mul3A_4 = arith.muli %add3A, %mul3A_3 : i32
    "tpu.region"() ({
      %run_scoped3A = tpu.sem_alloc : memref<!tpu.dma_semaphore, #tpu.memory_space<semaphore_mem>>
      %dma_start3A = arith.constant 0 : i32
      %dma_start3A_15 = tpu.memref_slice %arg2[%mul3A_4, %dma_start3A] : memref<5120x64xi32, #tpu.memory_space<hbm>> -> memref<160x64xi32, #tpu.memory_space<hbm>>
      %dma_start3A_16 = arith.constant 0 : i32
      %dma_start3A_17 = tpu.memref_slice %arg2[%mul3A_4, %dma_start3A_16] : memref<5120x64xi32, #tpu.memory_space<hbm>> -> memref<160x64xi32, #tpu.memory_space<hbm>>
      tpu.enqueue_dma source(%dma_start3A_17 : memref<160x64xi32, #tpu.memory_space<hbm>>) target(%arg6 : memref<160x64xi32, #tpu.memory_space<vmem>>) target_semaphore(%run_scoped3A : memref<!tpu.dma_semaphore, #tpu.memory_space<semaphore_mem>>)
      %dma_wait3A = arith.constant 0 : i32
      %dma_wait3A_18 = tpu.memref_slice %arg2[%mul3A_4, %dma_wait3A] : memref<5120x64xi32, #tpu.memory_space<hbm>> -> memref<160x64xi32, #tpu.memory_space<hbm>>
      %dma_wait3A_19 = arith.constant 0 : i32
      %dma_wait3A_20 = tpu.memref_slice %arg2[%mul3A_4, %dma_wait3A_19] : memref<5120x64xi32, #tpu.memory_space<hbm>> -> memref<160x64xi32, #tpu.memory_space<hbm>>
      tpu.wait_dma2 semaphore(%run_scoped3A : memref<!tpu.dma_semaphore, #tpu.memory_space<semaphore_mem>>) src(%dma_wait3A_20 : memref<160x64xi32, #tpu.memory_space<hbm>>) dst(%arg6 : memref<160x64xi32, #tpu.memory_space<vmem>>)
      tpu.yield
    }) : () -> ()
    "tpu.region"() ({
      %run_scoped3A = tpu.sem_alloc : memref<!tpu.dma_semaphore, #tpu.memory_space<semaphore_mem>>
      tpu.enqueue_dma source(%arg4 : memref<64x8xf32, #tpu.memory_space<hbm>>) target(%arg7 : memref<64x8xf32, #tpu.memory_space<vmem>>) target_semaphore(%run_scoped3A : memref<!tpu.dma_semaphore, #tpu.memory_space<semaphore_mem>>)
      tpu.wait_dma2 semaphore(%run_scoped3A : memref<!tpu.dma_semaphore, #tpu.memory_space<semaphore_mem>>) src(%arg4 : memref<64x8xf32, #tpu.memory_space<hbm>>) dst(%arg7 : memref<64x8xf32, #tpu.memory_space<vmem>>)
      tpu.yield
    }) : () -> ()
    %barrier3A = arith.constant 0 : index
    tpu.barrier barrier_id(%barrier3A)
    %scan3A = arith.constant 0 : i32
    %scan3A_5 = arith.constant 160 : i32
    %scan3A_6 = arith.addi %scan3A, %scan3A_5 : i32
    %scan3A_7 = arith.constant 1 : i32
    scf.for %scan3A_15 = %scan3A to %scan3A_6 step %scan3A_7  : i32 {
      %mul3A_16 = arith.constant 1 : i32
      %mul3A_17 = arith.muli %scan3A_15, %mul3A_16 : i32
      %add3A_18 = arith.constant 0 : i32
      %add3A_19 = arith.addi %add3A_18, %mul3A_17 : i32
      %rem3A = arith.constant 6 : i32
      %rem3A_20 = arith.remsi %add3A_19, %rem3A : i32
      %ge3A = arith.constant 6 : i32
      %ge3A_21 = arith.cmpi sge, %add3A_19, %ge3A : i32
      %convert_element_type3A = arith.extui %ge3A_21 : i1 to i32
      %cond3A = arith.constant 0 : i32
      %cond3A_22 = arith.cmpi ne, %convert_element_type3A, %cond3A : i32
      scf.if %cond3A_22 {
        %dma_wait3A = arith.constant 0 : i32
        %dma_wait3A_30 = arith.constant 0 : i32
        %dma_wait3A_31 = tpu.memref_slice %arg6[%dma_wait3A, %dma_wait3A_30] : memref<160x64xi32, #tpu.memory_space<vmem>> -> memref<1x64xi32, #tpu.memory_space<vmem>>
        %dma_wait3A_32 = tpu.memref_squeeze %dma_wait3A_31 : memref<1x64xi32, #tpu.memory_space<vmem>> -> memref<64xi32, #tpu.memory_space<vmem>>
        %dma_wait3A_33 = arith.constant 0 : i32
        %dma_wait3A_34 = arith.constant 0 : i32
        %dma_wait3A_35 = tpu.memref_slice %arg8[%dma_wait3A_33, %dma_wait3A_34] : memref<10240x8xf32, #tpu.memory_space<vmem_shared>> -> memref<10240x8xf32, #tpu.memory_space<vmem_shared>>
        %dma_wait3A_36 = tpu.memref_slice %arg9[%rem3A_20] : memref<6x!tpu.dma_semaphore, #tpu.memory_space<semaphore_mem>> -> memref<1x!tpu.dma_semaphore, #tpu.memory_space<semaphore_mem>>
        %dma_wait3A_37 = tpu.memref_squeeze %dma_wait3A_36 : memref<1x!tpu.dma_semaphore, #tpu.memory_space<semaphore_mem>> -> memref<!tpu.dma_semaphore, #tpu.memory_space<semaphore_mem>>
        tpu.wait_indirect_dma semaphore(%dma_wait3A_37 : memref<!tpu.dma_semaphore, #tpu.memory_space<semaphore_mem>>) src(%arg7 : memref<64x8xf32, #tpu.memory_space<vmem>>) dst(%dma_wait3A_35 : memref<10240x8xf32, #tpu.memory_space<vmem_shared>>)
      } else {
      }
      %dma_start3A = arith.constant 0 : i32
      %dma_start3A_23 = tpu.memref_slice %arg6[%add3A_19, %dma_start3A] : memref<160x64xi32, #tpu.memory_space<vmem>> -> memref<1x64xi32, #tpu.memory_space<vmem>>
      %dma_start3A_24 = tpu.memref_squeeze %dma_start3A_23 : memref<1x64xi32, #tpu.memory_space<vmem>> -> memref<64xi32, #tpu.memory_space<vmem>>
      %dma_start3A_25 = arith.constant 0 : i32
      %dma_start3A_26 = arith.constant 0 : i32
      %dma_start3A_27 = tpu.memref_slice %arg8[%dma_start3A_25, %dma_start3A_26] : memref<10240x8xf32, #tpu.memory_space<vmem_shared>> -> memref<10240x8xf32, #tpu.memory_space<vmem_shared>>
      %dma_start3A_28 = tpu.memref_slice %arg9[%rem3A_20] : memref<6x!tpu.dma_semaphore, #tpu.memory_space<semaphore_mem>> -> memref<1x!tpu.dma_semaphore, #tpu.memory_space<semaphore_mem>>
      %dma_start3A_29 = tpu.memref_squeeze %dma_start3A_28 : memref<1x!tpu.dma_semaphore, #tpu.memory_space<semaphore_mem>> -> memref<!tpu.dma_semaphore, #tpu.memory_space<semaphore_mem>>
      tpu.enqueue_indirect_dma source(%arg7 : memref<64x8xf32, #tpu.memory_space<vmem>>) target(%dma_start3A_27 : memref<10240x8xf32, #tpu.memory_space<vmem_shared>>) offsets(%dma_start3A_24 : memref<64xi32, #tpu.memory_space<vmem>>) semaphore(%dma_start3A_29 : memref<!tpu.dma_semaphore, #tpu.memory_space<semaphore_mem>>) {add = true}
    }
    %scan3A_8 = arith.constant 160 : i32
    %scan3A_9 = arith.constant 0 : i32
    %scan3A_10 = arith.constant 6 : i32
    %scan3A_11 = arith.addi %scan3A_9, %scan3A_10 : i32
    %scan3A_12 = arith.constant 1 : i32
    scf.for %scan3A_15 = %scan3A_9 to %scan3A_11 step %scan3A_12  : i32 {
      %mul3A_16 = arith.constant 1 : i32
      %mul3A_17 = arith.muli %scan3A_15, %mul3A_16 : i32
      %add3A_18 = arith.constant 0 : i32
      %add3A_19 = arith.addi %add3A_18, %mul3A_17 : i32
      %dma_wait3A = arith.constant 0 : i32
      %dma_wait3A_20 = arith.constant 0 : i32
      %dma_wait3A_21 = tpu.memref_slice %arg6[%dma_wait3A, %dma_wait3A_20] : memref<160x64xi32, #tpu.memory_space<vmem>> -> memref<1x64xi32, #tpu.memory_space<vmem>>
      %dma_wait3A_22 = tpu.memref_squeeze %dma_wait3A_21 : memref<1x64xi32, #tpu.memory_space<vmem>> -> memref<64xi32, #tpu.memory_space<vmem>>
      %dma_wait3A_23 = arith.constant 0 : i32
      %dma_wait3A_24 = arith.constant 0 : i32
      %dma_wait3A_25 = tpu.memref_slice %arg8[%dma_wait3A_23, %dma_wait3A_24] : memref<10240x8xf32, #tpu.memory_space<vmem_shared>> -> memref<10240x8xf32, #tpu.memory_space<vmem_shared>>
      %dma_wait3A_26 = tpu.memref_slice %arg9[%add3A_19] : memref<6x!tpu.dma_semaphore, #tpu.memory_space<semaphore_mem>> -> memref<1x!tpu.dma_semaphore, #tpu.memory_space<semaphore_mem>>
      %dma_wait3A_27 = tpu.memref_squeeze %dma_wait3A_26 : memref<1x!tpu.dma_semaphore, #tpu.memory_space<semaphore_mem>> -> memref<!tpu.dma_semaphore, #tpu.memory_space<semaphore_mem>>
      tpu.wait_indirect_dma semaphore(%dma_wait3A_27 : memref<!tpu.dma_semaphore, #tpu.memory_space<semaphore_mem>>) src(%arg7 : memref<64x8xf32, #tpu.memory_space<vmem>>) dst(%dma_wait3A_25 : memref<10240x8xf32, #tpu.memory_space<vmem_shared>>)
    }
    %scan3A_13 = arith.constant 6 : i32
    %barrier3A_14 = arith.constant 0 : index
    tpu.barrier barrier_id(%barrier3A_14)
    "tpu.region"() ({
      %run_scoped3A = tpu.sem_alloc : memref<!tpu.dma_semaphore, #tpu.memory_space<semaphore_mem>>
      %dma_start3A = arith.constant 0 : i32
      %dma_start3A_15 = tpu.memref_slice %arg5[%arg0, %mul3A_2, %dma_start3A] : memref<2x10240x8xf32, #tpu.memory_space<hbm>> -> memref<1x640x8xf32, #tpu.memory_space<hbm>>
      %dma_start3A_16 = tpu.memref_squeeze %dma_start3A_15 : memref<1x640x8xf32, #tpu.memory_space<hbm>> -> memref<640x8xf32, #tpu.memory_space<hbm>>
      %dma_start3A_17 = arith.constant 0 : i32
      %dma_start3A_18 = tpu.memref_slice %arg8[%mul3A_2, %dma_start3A_17] : memref<10240x8xf32, #tpu.memory_space<vmem_shared>> -> memref<640x8xf32, #tpu.memory_space<vmem_shared>>
      tpu.enqueue_dma source(%dma_start3A_18 : memref<640x8xf32, #tpu.memory_space<vmem_shared>>) target(%dma_start3A_16 : memref<640x8xf32, #tpu.memory_space<hbm>>) target_semaphore(%run_scoped3A : memref<!tpu.dma_semaphore, #tpu.memory_space<semaphore_mem>>)
      %dma_wait3A = arith.constant 0 : i32
      %dma_wait3A_19 = tpu.memref_slice %arg5[%arg0, %mul3A_2, %dma_wait3A] : memref<2x10240x8xf32, #tpu.memory_space<hbm>> -> memref<1x640x8xf32, #tpu.memory_space<hbm>>
      %dma_wait3A_20 = tpu.memref_squeeze %dma_wait3A_19 : memref<1x640x8xf32, #tpu.memory_space<hbm>> -> memref<640x8xf32, #tpu.memory_space<hbm>>
      %dma_wait3A_21 = arith.constant 0 : i32
      %dma_wait3A_22 = tpu.memref_slice %arg8[%mul3A_2, %dma_wait3A_21] : memref<10240x8xf32, #tpu.memory_space<vmem_shared>> -> memref<640x8xf32, #tpu.memory_space<vmem_shared>>
      tpu.wait_dma2 semaphore(%run_scoped3A : memref<!tpu.dma_semaphore, #tpu.memory_space<semaphore_mem>>) src(%dma_wait3A_22 : memref<640x8xf32, #tpu.memory_space<vmem_shared>>) dst(%dma_wait3A_20 : memref<640x8xf32, #tpu.memory_space<hbm>>)
      tpu.yield
    }) : () -> ()
    return
  }
}

#map = affine_map<(d0, d1) -> (0, 0)>
#map1 = affine_map<(d0, d1) -> (0, 0, 0)>
module attributes {stable_mosaic.version = 14 : i64} {
  func.func @_agg_body(%arg0: i32, %arg1: i32, %arg2: memref<10240x48xf32, #tpu.memory_space<hbm>>, %arg3: memref<5120x64xi32, #tpu.memory_space<hbm>>, %arg4: memref<5120x64xi32, #tpu.memory_space<hbm>>, %arg5: memref<10240x48xf32, #tpu.memory_space<hbm>>, %arg6: memref<2x10240x48xf32, #tpu.memory_space<hbm>>, %arg7: memref<160x64xi32, #tpu.memory_space<vmem>>, %arg8: memref<160x64xi32, #tpu.memory_space<vmem>>, %arg9: memref<6x64x48xf32, #tpu.memory_space<vmem>>, %arg10: memref<10240x48xf32, #tpu.memory_space<vmem_shared>>, %arg11: memref<10240x48xf32, #tpu.memory_space<vmem_shared>>, %arg12: memref<6x!tpu.dma_semaphore, #tpu.memory_space<semaphore_mem>>) attributes {dimension_semantics = [#tpu.dimension_semantics<core_parallel>, #tpu.dimension_semantics<subcore_parallel>], iteration_bounds = array<i64: 2, 16>, scalar_prefetch = 0 : i64, scratch_operands = 6 : i64, tpu.core_type = #tpu.core_type<sc_vector_subcore>, window_params = [{transform_indices = #map}, {transform_indices = #map}, {transform_indices = #map}, {transform_indices = #map}, {transform_indices = #map1}]} {
    %mul3A = arith.constant 2 : i32
    %mul3A_0 = arith.muli %arg1, %mul3A : i32
    %add3A = arith.addi %mul3A_0, %arg0 : i32
    %mul3A_1 = arith.constant 640 : i32
    %mul3A_2 = arith.muli %arg1, %mul3A_1 : i32
    "tpu.region"() ({
      %run_scoped3A = tpu.sem_alloc : memref<!tpu.dma_semaphore, #tpu.memory_space<semaphore_mem>>
      %dma_start3A = arith.constant 0 : i32
      %dma_start3A_22 = tpu.memref_slice %arg10[%mul3A_2, %dma_start3A] : memref<10240x48xf32, #tpu.memory_space<vmem_shared>> -> memref<640x48xf32, #tpu.memory_space<vmem_shared>>
      %dma_start3A_23 = arith.constant 0 : i32
      %dma_start3A_24 = tpu.memref_slice %arg2[%mul3A_2, %dma_start3A_23] : memref<10240x48xf32, #tpu.memory_space<hbm>> -> memref<640x48xf32, #tpu.memory_space<hbm>>
      tpu.enqueue_dma source(%dma_start3A_24 : memref<640x48xf32, #tpu.memory_space<hbm>>) target(%dma_start3A_22 : memref<640x48xf32, #tpu.memory_space<vmem_shared>>) target_semaphore(%run_scoped3A : memref<!tpu.dma_semaphore, #tpu.memory_space<semaphore_mem>>)
      %dma_wait3A = arith.constant 0 : i32
      %dma_wait3A_25 = tpu.memref_slice %arg10[%mul3A_2, %dma_wait3A] : memref<10240x48xf32, #tpu.memory_space<vmem_shared>> -> memref<640x48xf32, #tpu.memory_space<vmem_shared>>
      %dma_wait3A_26 = arith.constant 0 : i32
      %dma_wait3A_27 = tpu.memref_slice %arg2[%mul3A_2, %dma_wait3A_26] : memref<10240x48xf32, #tpu.memory_space<hbm>> -> memref<640x48xf32, #tpu.memory_space<hbm>>
      tpu.wait_dma2 semaphore(%run_scoped3A : memref<!tpu.dma_semaphore, #tpu.memory_space<semaphore_mem>>) src(%dma_wait3A_27 : memref<640x48xf32, #tpu.memory_space<hbm>>) dst(%dma_wait3A_25 : memref<640x48xf32, #tpu.memory_space<vmem_shared>>)
      tpu.yield
    }) : () -> ()
    "tpu.region"() ({
      %run_scoped3A = tpu.sem_alloc : memref<!tpu.dma_semaphore, #tpu.memory_space<semaphore_mem>>
      %dma_start3A = arith.constant 0 : i32
      %dma_start3A_22 = tpu.memref_slice %arg11[%mul3A_2, %dma_start3A] : memref<10240x48xf32, #tpu.memory_space<vmem_shared>> -> memref<640x48xf32, #tpu.memory_space<vmem_shared>>
      %dma_start3A_23 = arith.constant 0 : i32
      %dma_start3A_24 = tpu.memref_slice %arg5[%mul3A_2, %dma_start3A_23] : memref<10240x48xf32, #tpu.memory_space<hbm>> -> memref<640x48xf32, #tpu.memory_space<hbm>>
      tpu.enqueue_dma source(%dma_start3A_24 : memref<640x48xf32, #tpu.memory_space<hbm>>) target(%dma_start3A_22 : memref<640x48xf32, #tpu.memory_space<vmem_shared>>) target_semaphore(%run_scoped3A : memref<!tpu.dma_semaphore, #tpu.memory_space<semaphore_mem>>)
      %dma_wait3A = arith.constant 0 : i32
      %dma_wait3A_25 = tpu.memref_slice %arg11[%mul3A_2, %dma_wait3A] : memref<10240x48xf32, #tpu.memory_space<vmem_shared>> -> memref<640x48xf32, #tpu.memory_space<vmem_shared>>
      %dma_wait3A_26 = arith.constant 0 : i32
      %dma_wait3A_27 = tpu.memref_slice %arg5[%mul3A_2, %dma_wait3A_26] : memref<10240x48xf32, #tpu.memory_space<hbm>> -> memref<640x48xf32, #tpu.memory_space<hbm>>
      tpu.wait_dma2 semaphore(%run_scoped3A : memref<!tpu.dma_semaphore, #tpu.memory_space<semaphore_mem>>) src(%dma_wait3A_27 : memref<640x48xf32, #tpu.memory_space<hbm>>) dst(%dma_wait3A_25 : memref<640x48xf32, #tpu.memory_space<vmem_shared>>)
      tpu.yield
    }) : () -> ()
    %mul3A_3 = arith.constant 160 : i32
    %mul3A_4 = arith.muli %add3A, %mul3A_3 : i32
    "tpu.region"() ({
      %run_scoped3A = tpu.sem_alloc : memref<!tpu.dma_semaphore, #tpu.memory_space<semaphore_mem>>
      %dma_start3A = arith.constant 0 : i32
      %dma_start3A_22 = tpu.memref_slice %arg3[%mul3A_4, %dma_start3A] : memref<5120x64xi32, #tpu.memory_space<hbm>> -> memref<160x64xi32, #tpu.memory_space<hbm>>
      %dma_start3A_23 = arith.constant 0 : i32
      %dma_start3A_24 = tpu.memref_slice %arg3[%mul3A_4, %dma_start3A_23] : memref<5120x64xi32, #tpu.memory_space<hbm>> -> memref<160x64xi32, #tpu.memory_space<hbm>>
      tpu.enqueue_dma source(%dma_start3A_24 : memref<160x64xi32, #tpu.memory_space<hbm>>) target(%arg7 : memref<160x64xi32, #tpu.memory_space<vmem>>) target_semaphore(%run_scoped3A : memref<!tpu.dma_semaphore, #tpu.memory_space<semaphore_mem>>)
      %dma_wait3A = arith.constant 0 : i32
      %dma_wait3A_25 = tpu.memref_slice %arg3[%mul3A_4, %dma_wait3A] : memref<5120x64xi32, #tpu.memory_space<hbm>> -> memref<160x64xi32, #tpu.memory_space<hbm>>
      %dma_wait3A_26 = arith.constant 0 : i32
      %dma_wait3A_27 = tpu.memref_slice %arg3[%mul3A_4, %dma_wait3A_26] : memref<5120x64xi32, #tpu.memory_space<hbm>> -> memref<160x64xi32, #tpu.memory_space<hbm>>
      tpu.wait_dma2 semaphore(%run_scoped3A : memref<!tpu.dma_semaphore, #tpu.memory_space<semaphore_mem>>) src(%dma_wait3A_27 : memref<160x64xi32, #tpu.memory_space<hbm>>) dst(%arg7 : memref<160x64xi32, #tpu.memory_space<vmem>>)
      tpu.yield
    }) : () -> ()
    %mul3A_5 = arith.constant 160 : i32
    %mul3A_6 = arith.muli %add3A, %mul3A_5 : i32
    "tpu.region"() ({
      %run_scoped3A = tpu.sem_alloc : memref<!tpu.dma_semaphore, #tpu.memory_space<semaphore_mem>>
      %dma_start3A = arith.constant 0 : i32
      %dma_start3A_22 = tpu.memref_slice %arg4[%mul3A_6, %dma_start3A] : memref<5120x64xi32, #tpu.memory_space<hbm>> -> memref<160x64xi32, #tpu.memory_space<hbm>>
      %dma_start3A_23 = arith.constant 0 : i32
      %dma_start3A_24 = tpu.memref_slice %arg4[%mul3A_6, %dma_start3A_23] : memref<5120x64xi32, #tpu.memory_space<hbm>> -> memref<160x64xi32, #tpu.memory_space<hbm>>
      tpu.enqueue_dma source(%dma_start3A_24 : memref<160x64xi32, #tpu.memory_space<hbm>>) target(%arg8 : memref<160x64xi32, #tpu.memory_space<vmem>>) target_semaphore(%run_scoped3A : memref<!tpu.dma_semaphore, #tpu.memory_space<semaphore_mem>>)
      %dma_wait3A = arith.constant 0 : i32
      %dma_wait3A_25 = tpu.memref_slice %arg4[%mul3A_6, %dma_wait3A] : memref<5120x64xi32, #tpu.memory_space<hbm>> -> memref<160x64xi32, #tpu.memory_space<hbm>>
      %dma_wait3A_26 = arith.constant 0 : i32
      %dma_wait3A_27 = tpu.memref_slice %arg4[%mul3A_6, %dma_wait3A_26] : memref<5120x64xi32, #tpu.memory_space<hbm>> -> memref<160x64xi32, #tpu.memory_space<hbm>>
      tpu.wait_dma2 semaphore(%run_scoped3A : memref<!tpu.dma_semaphore, #tpu.memory_space<semaphore_mem>>) src(%dma_wait3A_27 : memref<160x64xi32, #tpu.memory_space<hbm>>) dst(%arg8 : memref<160x64xi32, #tpu.memory_space<vmem>>)
      tpu.yield
    }) : () -> ()
    %barrier3A = arith.constant 0 : index
    tpu.barrier barrier_id(%barrier3A)
    %scan3A = arith.constant 0 : i32
    %scan3A_7 = arith.constant 6 : i32
    %scan3A_8 = arith.addi %scan3A, %scan3A_7 : i32
    %scan3A_9 = arith.constant 1 : i32
    scf.for %scan3A_22 = %scan3A to %scan3A_8 step %scan3A_9  : i32 {
      %mul3A_23 = arith.constant 1 : i32
      %mul3A_24 = arith.muli %scan3A_22, %mul3A_23 : i32
      %add3A_25 = arith.constant 0 : i32
      %add3A_26 = arith.addi %add3A_25, %mul3A_24 : i32
      %dma_start3A = arith.constant 0 : i32
      %dma_start3A_27 = arith.constant 0 : i32
      %dma_start3A_28 = tpu.memref_slice %arg9[%add3A_26, %dma_start3A, %dma_start3A_27] : memref<6x64x48xf32, #tpu.memory_space<vmem>> -> memref<1x64x48xf32, #tpu.memory_space<vmem>>
      %dma_start3A_29 = tpu.memref_squeeze %dma_start3A_28 : memref<1x64x48xf32, #tpu.memory_space<vmem>> -> memref<64x48xf32, #tpu.memory_space<vmem>>
      %dma_start3A_30 = arith.constant 0 : i32
      %dma_start3A_31 = tpu.memref_slice %arg7[%add3A_26, %dma_start3A_30] : memref<160x64xi32, #tpu.memory_space<vmem>> -> memref<1x64xi32, #tpu.memory_space<vmem>>
      %dma_start3A_32 = tpu.memref_squeeze %dma_start3A_31 : memref<1x64xi32, #tpu.memory_space<vmem>> -> memref<64xi32, #tpu.memory_space<vmem>>
      %dma_start3A_33 = arith.constant 0 : i32
      %dma_start3A_34 = arith.constant 0 : i32
      %dma_start3A_35 = tpu.memref_slice %arg10[%dma_start3A_33, %dma_start3A_34] : memref<10240x48xf32, #tpu.memory_space<vmem_shared>> -> memref<10240x48xf32, #tpu.memory_space<vmem_shared>>
      %dma_start3A_36 = tpu.memref_slice %arg12[%add3A_26] : memref<6x!tpu.dma_semaphore, #tpu.memory_space<semaphore_mem>> -> memref<1x!tpu.dma_semaphore, #tpu.memory_space<semaphore_mem>>
      %dma_start3A_37 = tpu.memref_squeeze %dma_start3A_36 : memref<1x!tpu.dma_semaphore, #tpu.memory_space<semaphore_mem>> -> memref<!tpu.dma_semaphore, #tpu.memory_space<semaphore_mem>>
      tpu.enqueue_indirect_dma source(%dma_start3A_35 : memref<10240x48xf32, #tpu.memory_space<vmem_shared>>) target(%dma_start3A_29 : memref<64x48xf32, #tpu.memory_space<vmem>>) offsets(%dma_start3A_32 : memref<64xi32, #tpu.memory_space<vmem>>) semaphore(%dma_start3A_37 : memref<!tpu.dma_semaphore, #tpu.memory_space<semaphore_mem>>)
    }
    %scan3A_10 = arith.constant 6 : i32
    %scan3A_11 = arith.constant 0 : i32
    %scan3A_12 = arith.constant 154 : i32
    %scan3A_13 = arith.addi %scan3A_11, %scan3A_12 : i32
    %scan3A_14 = arith.constant 1 : i32
    scf.for %scan3A_22 = %scan3A_11 to %scan3A_13 step %scan3A_14  : i32 {
      %mul3A_23 = arith.constant 1 : i32
      %mul3A_24 = arith.muli %scan3A_22, %mul3A_23 : i32
      %add3A_25 = arith.constant 0 : i32
      %add3A_26 = arith.addi %add3A_25, %mul3A_24 : i32
      %rem3A = arith.constant 6 : i32
      %rem3A_27 = arith.remsi %add3A_26, %rem3A : i32
      %dma_wait3A = arith.constant 0 : i32
      %dma_wait3A_28 = arith.constant 0 : i32
      %dma_wait3A_29 = arith.constant 0 : i32
      %dma_wait3A_30 = tpu.memref_slice %arg9[%rem3A_27, %dma_wait3A_28, %dma_wait3A_29] : memref<6x64x48xf32, #tpu.memory_space<vmem>> -> memref<1x64x48xf32, #tpu.memory_space<vmem>>
      %dma_wait3A_31 = tpu.memref_squeeze %dma_wait3A_30 : memref<1x64x48xf32, #tpu.memory_space<vmem>> -> memref<64x48xf32, #tpu.memory_space<vmem>>
      %dma_wait3A_32 = arith.constant 0 : i32
      %dma_wait3A_33 = tpu.memref_slice %arg7[%dma_wait3A, %dma_wait3A_32] : memref<160x64xi32, #tpu.memory_space<vmem>> -> memref<1x64xi32, #tpu.memory_space<vmem>>
      %dma_wait3A_34 = tpu.memref_squeeze %dma_wait3A_33 : memref<1x64xi32, #tpu.memory_space<vmem>> -> memref<64xi32, #tpu.memory_space<vmem>>
      %dma_wait3A_35 = arith.constant 0 : i32
      %dma_wait3A_36 = arith.constant 0 : i32
      %dma_wait3A_37 = tpu.memref_slice %arg10[%dma_wait3A_35, %dma_wait3A_36] : memref<10240x48xf32, #tpu.memory_space<vmem_shared>> -> memref<10240x48xf32, #tpu.memory_space<vmem_shared>>
      %dma_wait3A_38 = tpu.memref_slice %arg12[%rem3A_27] : memref<6x!tpu.dma_semaphore, #tpu.memory_space<semaphore_mem>> -> memref<1x!tpu.dma_semaphore, #tpu.memory_space<semaphore_mem>>
      %dma_wait3A_39 = tpu.memref_squeeze %dma_wait3A_38 : memref<1x!tpu.dma_semaphore, #tpu.memory_space<semaphore_mem>> -> memref<!tpu.dma_semaphore, #tpu.memory_space<semaphore_mem>>
      tpu.wait_indirect_dma semaphore(%dma_wait3A_39 : memref<!tpu.dma_semaphore, #tpu.memory_space<semaphore_mem>>) src(%dma_wait3A_37 : memref<10240x48xf32, #tpu.memory_space<vmem_shared>>) dst(%dma_wait3A_31 : memref<64x48xf32, #tpu.memory_space<vmem>>)
      "tpu.region"() ({
        %run_scoped3A = tpu.sem_alloc : memref<!tpu.dma_semaphore, #tpu.memory_space<semaphore_mem>>
        %dma_start3A_53 = arith.constant 0 : i32
        %dma_start3A_54 = arith.constant 0 : i32
        %dma_start3A_55 = tpu.memref_slice %arg9[%rem3A_27, %dma_start3A_53, %dma_start3A_54] : memref<6x64x48xf32, #tpu.memory_space<vmem>> -> memref<1x64x48xf32, #tpu.memory_space<vmem>>
        %dma_start3A_56 = tpu.memref_squeeze %dma_start3A_55 : memref<1x64x48xf32, #tpu.memory_space<vmem>> -> memref<64x48xf32, #tpu.memory_space<vmem>>
        %dma_start3A_57 = arith.constant 0 : i32
        %dma_start3A_58 = tpu.memref_slice %arg8[%add3A_26, %dma_start3A_57] : memref<160x64xi32, #tpu.memory_space<vmem>> -> memref<1x64xi32, #tpu.memory_space<vmem>>
        %dma_start3A_59 = tpu.memref_squeeze %dma_start3A_58 : memref<1x64xi32, #tpu.memory_space<vmem>> -> memref<64xi32, #tpu.memory_space<vmem>>
        %dma_start3A_60 = arith.constant 0 : i32
        %dma_start3A_61 = arith.constant 0 : i32
        %dma_start3A_62 = tpu.memref_slice %arg11[%dma_start3A_60, %dma_start3A_61] : memref<10240x48xf32, #tpu.memory_space<vmem_shared>> -> memref<10240x48xf32, #tpu.memory_space<vmem_shared>>
        tpu.enqueue_indirect_dma source(%dma_start3A_56 : memref<64x48xf32, #tpu.memory_space<vmem>>) target(%dma_start3A_62 : memref<10240x48xf32, #tpu.memory_space<vmem_shared>>) offsets(%dma_start3A_59 : memref<64xi32, #tpu.memory_space<vmem>>) semaphore(%run_scoped3A : memref<!tpu.dma_semaphore, #tpu.memory_space<semaphore_mem>>) {add = true}
        %dma_wait3A_63 = arith.constant 0 : i32
        %dma_wait3A_64 = arith.constant 0 : i32
        %dma_wait3A_65 = tpu.memref_slice %arg9[%rem3A_27, %dma_wait3A_63, %dma_wait3A_64] : memref<6x64x48xf32, #tpu.memory_space<vmem>> -> memref<1x64x48xf32, #tpu.memory_space<vmem>>
        %dma_wait3A_66 = tpu.memref_squeeze %dma_wait3A_65 : memref<1x64x48xf32, #tpu.memory_space<vmem>> -> memref<64x48xf32, #tpu.memory_space<vmem>>
        %dma_wait3A_67 = arith.constant 0 : i32
        %dma_wait3A_68 = tpu.memref_slice %arg8[%add3A_26, %dma_wait3A_67] : memref<160x64xi32, #tpu.memory_space<vmem>> -> memref<1x64xi32, #tpu.memory_space<vmem>>
        %dma_wait3A_69 = tpu.memref_squeeze %dma_wait3A_68 : memref<1x64xi32, #tpu.memory_space<vmem>> -> memref<64xi32, #tpu.memory_space<vmem>>
        %dma_wait3A_70 = arith.constant 0 : i32
        %dma_wait3A_71 = arith.constant 0 : i32
        %dma_wait3A_72 = tpu.memref_slice %arg11[%dma_wait3A_70, %dma_wait3A_71] : memref<10240x48xf32, #tpu.memory_space<vmem_shared>> -> memref<10240x48xf32, #tpu.memory_space<vmem_shared>>
        tpu.wait_indirect_dma semaphore(%run_scoped3A : memref<!tpu.dma_semaphore, #tpu.memory_space<semaphore_mem>>) src(%dma_wait3A_66 : memref<64x48xf32, #tpu.memory_space<vmem>>) dst(%dma_wait3A_72 : memref<10240x48xf32, #tpu.memory_space<vmem_shared>>)
        tpu.yield
      }) : () -> ()
      %add3A_40 = arith.constant 6 : i32
      %add3A_41 = arith.addi %add3A_26, %add3A_40 : i32
      %dma_start3A = arith.constant 0 : i32
      %dma_start3A_42 = arith.constant 0 : i32
      %dma_start3A_43 = tpu.memref_slice %arg9[%rem3A_27, %dma_start3A, %dma_start3A_42] : memref<6x64x48xf32, #tpu.memory_space<vmem>> -> memref<1x64x48xf32, #tpu.memory_space<vmem>>
      %dma_start3A_44 = tpu.memref_squeeze %dma_start3A_43 : memref<1x64x48xf32, #tpu.memory_space<vmem>> -> memref<64x48xf32, #tpu.memory_space<vmem>>
      %dma_start3A_45 = arith.constant 0 : i32
      %dma_start3A_46 = tpu.memref_slice %arg7[%add3A_41, %dma_start3A_45] : memref<160x64xi32, #tpu.memory_space<vmem>> -> memref<1x64xi32, #tpu.memory_space<vmem>>
      %dma_start3A_47 = tpu.memref_squeeze %dma_start3A_46 : memref<1x64xi32, #tpu.memory_space<vmem>> -> memref<64xi32, #tpu.memory_space<vmem>>
      %dma_start3A_48 = arith.constant 0 : i32
      %dma_start3A_49 = arith.constant 0 : i32
      %dma_start3A_50 = tpu.memref_slice %arg10[%dma_start3A_48, %dma_start3A_49] : memref<10240x48xf32, #tpu.memory_space<vmem_shared>> -> memref<10240x48xf32, #tpu.memory_space<vmem_shared>>
      %dma_start3A_51 = tpu.memref_slice %arg12[%rem3A_27] : memref<6x!tpu.dma_semaphore, #tpu.memory_space<semaphore_mem>> -> memref<1x!tpu.dma_semaphore, #tpu.memory_space<semaphore_mem>>
      %dma_start3A_52 = tpu.memref_squeeze %dma_start3A_51 : memref<1x!tpu.dma_semaphore, #tpu.memory_space<semaphore_mem>> -> memref<!tpu.dma_semaphore, #tpu.memory_space<semaphore_mem>>
      tpu.enqueue_indirect_dma source(%dma_start3A_50 : memref<10240x48xf32, #tpu.memory_space<vmem_shared>>) target(%dma_start3A_44 : memref<64x48xf32, #tpu.memory_space<vmem>>) offsets(%dma_start3A_47 : memref<64xi32, #tpu.memory_space<vmem>>) semaphore(%dma_start3A_52 : memref<!tpu.dma_semaphore, #tpu.memory_space<semaphore_mem>>)
    }
    %scan3A_15 = arith.constant 154 : i32
    %scan3A_16 = arith.constant 0 : i32
    %scan3A_17 = arith.constant 6 : i32
    %scan3A_18 = arith.addi %scan3A_16, %scan3A_17 : i32
    %scan3A_19 = arith.constant 1 : i32
    scf.for %scan3A_22 = %scan3A_16 to %scan3A_18 step %scan3A_19  : i32 {
      %mul3A_23 = arith.constant 1 : i32
      %mul3A_24 = arith.muli %scan3A_22, %mul3A_23 : i32
      %add3A_25 = arith.constant 154 : i32
      %add3A_26 = arith.addi %add3A_25, %mul3A_24 : i32
      %rem3A = arith.constant 6 : i32
      %rem3A_27 = arith.remsi %add3A_26, %rem3A : i32
      %dma_wait3A = arith.constant 0 : i32
      %dma_wait3A_28 = arith.constant 0 : i32
      %dma_wait3A_29 = arith.constant 0 : i32
      %dma_wait3A_30 = tpu.memref_slice %arg9[%rem3A_27, %dma_wait3A_28, %dma_wait3A_29] : memref<6x64x48xf32, #tpu.memory_space<vmem>> -> memref<1x64x48xf32, #tpu.memory_space<vmem>>
      %dma_wait3A_31 = tpu.memref_squeeze %dma_wait3A_30 : memref<1x64x48xf32, #tpu.memory_space<vmem>> -> memref<64x48xf32, #tpu.memory_space<vmem>>
      %dma_wait3A_32 = arith.constant 0 : i32
      %dma_wait3A_33 = tpu.memref_slice %arg7[%dma_wait3A, %dma_wait3A_32] : memref<160x64xi32, #tpu.memory_space<vmem>> -> memref<1x64xi32, #tpu.memory_space<vmem>>
      %dma_wait3A_34 = tpu.memref_squeeze %dma_wait3A_33 : memref<1x64xi32, #tpu.memory_space<vmem>> -> memref<64xi32, #tpu.memory_space<vmem>>
      %dma_wait3A_35 = arith.constant 0 : i32
      %dma_wait3A_36 = arith.constant 0 : i32
      %dma_wait3A_37 = tpu.memref_slice %arg10[%dma_wait3A_35, %dma_wait3A_36] : memref<10240x48xf32, #tpu.memory_space<vmem_shared>> -> memref<10240x48xf32, #tpu.memory_space<vmem_shared>>
      %dma_wait3A_38 = tpu.memref_slice %arg12[%rem3A_27] : memref<6x!tpu.dma_semaphore, #tpu.memory_space<semaphore_mem>> -> memref<1x!tpu.dma_semaphore, #tpu.memory_space<semaphore_mem>>
      %dma_wait3A_39 = tpu.memref_squeeze %dma_wait3A_38 : memref<1x!tpu.dma_semaphore, #tpu.memory_space<semaphore_mem>> -> memref<!tpu.dma_semaphore, #tpu.memory_space<semaphore_mem>>
      tpu.wait_indirect_dma semaphore(%dma_wait3A_39 : memref<!tpu.dma_semaphore, #tpu.memory_space<semaphore_mem>>) src(%dma_wait3A_37 : memref<10240x48xf32, #tpu.memory_space<vmem_shared>>) dst(%dma_wait3A_31 : memref<64x48xf32, #tpu.memory_space<vmem>>)
      "tpu.region"() ({
        %run_scoped3A = tpu.sem_alloc : memref<!tpu.dma_semaphore, #tpu.memory_space<semaphore_mem>>
        %dma_start3A = arith.constant 0 : i32
        %dma_start3A_40 = arith.constant 0 : i32
        %dma_start3A_41 = tpu.memref_slice %arg9[%rem3A_27, %dma_start3A, %dma_start3A_40] : memref<6x64x48xf32, #tpu.memory_space<vmem>> -> memref<1x64x48xf32, #tpu.memory_space<vmem>>
        %dma_start3A_42 = tpu.memref_squeeze %dma_start3A_41 : memref<1x64x48xf32, #tpu.memory_space<vmem>> -> memref<64x48xf32, #tpu.memory_space<vmem>>
        %dma_start3A_43 = arith.constant 0 : i32
        %dma_start3A_44 = tpu.memref_slice %arg8[%add3A_26, %dma_start3A_43] : memref<160x64xi32, #tpu.memory_space<vmem>> -> memref<1x64xi32, #tpu.memory_space<vmem>>
        %dma_start3A_45 = tpu.memref_squeeze %dma_start3A_44 : memref<1x64xi32, #tpu.memory_space<vmem>> -> memref<64xi32, #tpu.memory_space<vmem>>
        %dma_start3A_46 = arith.constant 0 : i32
        %dma_start3A_47 = arith.constant 0 : i32
        %dma_start3A_48 = tpu.memref_slice %arg11[%dma_start3A_46, %dma_start3A_47] : memref<10240x48xf32, #tpu.memory_space<vmem_shared>> -> memref<10240x48xf32, #tpu.memory_space<vmem_shared>>
        tpu.enqueue_indirect_dma source(%dma_start3A_42 : memref<64x48xf32, #tpu.memory_space<vmem>>) target(%dma_start3A_48 : memref<10240x48xf32, #tpu.memory_space<vmem_shared>>) offsets(%dma_start3A_45 : memref<64xi32, #tpu.memory_space<vmem>>) semaphore(%run_scoped3A : memref<!tpu.dma_semaphore, #tpu.memory_space<semaphore_mem>>) {add = true}
        %dma_wait3A_49 = arith.constant 0 : i32
        %dma_wait3A_50 = arith.constant 0 : i32
        %dma_wait3A_51 = tpu.memref_slice %arg9[%rem3A_27, %dma_wait3A_49, %dma_wait3A_50] : memref<6x64x48xf32, #tpu.memory_space<vmem>> -> memref<1x64x48xf32, #tpu.memory_space<vmem>>
        %dma_wait3A_52 = tpu.memref_squeeze %dma_wait3A_51 : memref<1x64x48xf32, #tpu.memory_space<vmem>> -> memref<64x48xf32, #tpu.memory_space<vmem>>
        %dma_wait3A_53 = arith.constant 0 : i32
        %dma_wait3A_54 = tpu.memref_slice %arg8[%add3A_26, %dma_wait3A_53] : memref<160x64xi32, #tpu.memory_space<vmem>> -> memref<1x64xi32, #tpu.memory_space<vmem>>
        %dma_wait3A_55 = tpu.memref_squeeze %dma_wait3A_54 : memref<1x64xi32, #tpu.memory_space<vmem>> -> memref<64xi32, #tpu.memory_space<vmem>>
        %dma_wait3A_56 = arith.constant 0 : i32
        %dma_wait3A_57 = arith.constant 0 : i32
        %dma_wait3A_58 = tpu.memref_slice %arg11[%dma_wait3A_56, %dma_wait3A_57] : memref<10240x48xf32, #tpu.memory_space<vmem_shared>> -> memref<10240x48xf32, #tpu.memory_space<vmem_shared>>
        tpu.wait_indirect_dma semaphore(%run_scoped3A : memref<!tpu.dma_semaphore, #tpu.memory_space<semaphore_mem>>) src(%dma_wait3A_52 : memref<64x48xf32, #tpu.memory_space<vmem>>) dst(%dma_wait3A_58 : memref<10240x48xf32, #tpu.memory_space<vmem_shared>>)
        tpu.yield
      }) : () -> ()
    }
    %scan3A_20 = arith.constant 6 : i32
    %barrier3A_21 = arith.constant 0 : index
    tpu.barrier barrier_id(%barrier3A_21)
    "tpu.region"() ({
      %run_scoped3A = tpu.sem_alloc : memref<!tpu.dma_semaphore, #tpu.memory_space<semaphore_mem>>
      %dma_start3A = arith.constant 0 : i32
      %dma_start3A_22 = tpu.memref_slice %arg6[%arg0, %mul3A_2, %dma_start3A] : memref<2x10240x48xf32, #tpu.memory_space<hbm>> -> memref<1x640x48xf32, #tpu.memory_space<hbm>>
      %dma_start3A_23 = tpu.memref_squeeze %dma_start3A_22 : memref<1x640x48xf32, #tpu.memory_space<hbm>> -> memref<640x48xf32, #tpu.memory_space<hbm>>
      %dma_start3A_24 = arith.constant 0 : i32
      %dma_start3A_25 = tpu.memref_slice %arg11[%mul3A_2, %dma_start3A_24] : memref<10240x48xf32, #tpu.memory_space<vmem_shared>> -> memref<640x48xf32, #tpu.memory_space<vmem_shared>>
      tpu.enqueue_dma source(%dma_start3A_25 : memref<640x48xf32, #tpu.memory_space<vmem_shared>>) target(%dma_start3A_23 : memref<640x48xf32, #tpu.memory_space<hbm>>) target_semaphore(%run_scoped3A : memref<!tpu.dma_semaphore, #tpu.memory_space<semaphore_mem>>)
      %dma_wait3A = arith.constant 0 : i32
      %dma_wait3A_26 = tpu.memref_slice %arg6[%arg0, %mul3A_2, %dma_wait3A] : memref<2x10240x48xf32, #tpu.memory_space<hbm>> -> memref<1x640x48xf32, #tpu.memory_space<hbm>>
      %dma_wait3A_27 = tpu.memref_squeeze %dma_wait3A_26 : memref<1x640x48xf32, #tpu.memory_space<hbm>> -> memref<640x48xf32, #tpu.memory_space<hbm>>
      %dma_wait3A_28 = arith.constant 0 : i32
      %dma_wait3A_29 = tpu.memref_slice %arg11[%mul3A_2, %dma_wait3A_28] : memref<10240x48xf32, #tpu.memory_space<vmem_shared>> -> memref<640x48xf32, #tpu.memory_space<vmem_shared>>
      tpu.wait_dma2 semaphore(%run_scoped3A : memref<!tpu.dma_semaphore, #tpu.memory_space<semaphore_mem>>) src(%dma_wait3A_29 : memref<640x48xf32, #tpu.memory_space<vmem_shared>>) dst(%dma_wait3A_27 : memref<640x48xf32, #tpu.memory_space<hbm>>)
      tpu.yield
    }) : () -> ()
    return
  }
}

#map = affine_map<(d0, d1) -> (0, 0)>
#map1 = affine_map<(d0, d1) -> (0, 0, 0)>
module attributes {stable_mosaic.version = 14 : i64} {
  func.func @_agg2pass_body(%arg0: i32, %arg1: i32, %arg2: memref<10240x64xf32, #tpu.memory_space<hbm>>, %arg3: memref<10240x64xf32, #tpu.memory_space<hbm>>, %arg4: memref<5120x64xi32, #tpu.memory_space<hbm>>, %arg5: memref<5120x64xi32, #tpu.memory_space<hbm>>, %arg6: memref<10240x64xf32, #tpu.memory_space<hbm>>, %arg7: memref<2x10240x64xf32, #tpu.memory_space<hbm>>, %arg8: memref<2x10240x64xf32, #tpu.memory_space<hbm>>, %arg9: memref<160x64xi32, #tpu.memory_space<vmem>>, %arg10: memref<160x64xi32, #tpu.memory_space<vmem>>, %arg11: memref<6x64x64xf32, #tpu.memory_space<vmem>>, %arg12: memref<10240x64xf32, #tpu.memory_space<vmem_shared>>, %arg13: memref<10240x64xf32, #tpu.memory_space<vmem_shared>>, %arg14: memref<6x!tpu.dma_semaphore, #tpu.memory_space<semaphore_mem>>) attributes {dimension_semantics = [#tpu.dimension_semantics<core_parallel>, #tpu.dimension_semantics<subcore_parallel>], iteration_bounds = array<i64: 2, 16>, scalar_prefetch = 0 : i64, scratch_operands = 6 : i64, tpu.core_type = #tpu.core_type<sc_vector_subcore>, window_params = [{transform_indices = #map}, {transform_indices = #map}, {transform_indices = #map}, {transform_indices = #map}, {transform_indices = #map}, {transform_indices = #map1}, {transform_indices = #map1}]} {
    %mul3A = arith.constant 2 : i32
    %mul3A_0 = arith.muli %arg1, %mul3A : i32
    %add3A = arith.addi %mul3A_0, %arg0 : i32
    %mul3A_1 = arith.constant 640 : i32
    %mul3A_2 = arith.muli %arg1, %mul3A_1 : i32
    %mul3A_3 = arith.constant 160 : i32
    %mul3A_4 = arith.muli %add3A, %mul3A_3 : i32
    "tpu.region"() ({
      %run_scoped3A = tpu.sem_alloc : memref<!tpu.dma_semaphore, #tpu.memory_space<semaphore_mem>>
      %dma_start3A = arith.constant 0 : i32
      %dma_start3A_41 = tpu.memref_slice %arg4[%mul3A_4, %dma_start3A] : memref<5120x64xi32, #tpu.memory_space<hbm>> -> memref<160x64xi32, #tpu.memory_space<hbm>>
      %dma_start3A_42 = arith.constant 0 : i32
      %dma_start3A_43 = tpu.memref_slice %arg4[%mul3A_4, %dma_start3A_42] : memref<5120x64xi32, #tpu.memory_space<hbm>> -> memref<160x64xi32, #tpu.memory_space<hbm>>
      tpu.enqueue_dma source(%dma_start3A_43 : memref<160x64xi32, #tpu.memory_space<hbm>>) target(%arg9 : memref<160x64xi32, #tpu.memory_space<vmem>>) target_semaphore(%run_scoped3A : memref<!tpu.dma_semaphore, #tpu.memory_space<semaphore_mem>>)
      %dma_wait3A = arith.constant 0 : i32
      %dma_wait3A_44 = tpu.memref_slice %arg4[%mul3A_4, %dma_wait3A] : memref<5120x64xi32, #tpu.memory_space<hbm>> -> memref<160x64xi32, #tpu.memory_space<hbm>>
      %dma_wait3A_45 = arith.constant 0 : i32
      %dma_wait3A_46 = tpu.memref_slice %arg4[%mul3A_4, %dma_wait3A_45] : memref<5120x64xi32, #tpu.memory_space<hbm>> -> memref<160x64xi32, #tpu.memory_space<hbm>>
      tpu.wait_dma2 semaphore(%run_scoped3A : memref<!tpu.dma_semaphore, #tpu.memory_space<semaphore_mem>>) src(%dma_wait3A_46 : memref<160x64xi32, #tpu.memory_space<hbm>>) dst(%arg9 : memref<160x64xi32, #tpu.memory_space<vmem>>)
      tpu.yield
    }) : () -> ()
    %mul3A_5 = arith.constant 160 : i32
    %mul3A_6 = arith.muli %add3A, %mul3A_5 : i32
    "tpu.region"() ({
      %run_scoped3A = tpu.sem_alloc : memref<!tpu.dma_semaphore, #tpu.memory_space<semaphore_mem>>
      %dma_start3A = arith.constant 0 : i32
      %dma_start3A_41 = tpu.memref_slice %arg5[%mul3A_6, %dma_start3A] : memref<5120x64xi32, #tpu.memory_space<hbm>> -> memref<160x64xi32, #tpu.memory_space<hbm>>
      %dma_start3A_42 = arith.constant 0 : i32
      %dma_start3A_43 = tpu.memref_slice %arg5[%mul3A_6, %dma_start3A_42] : memref<5120x64xi32, #tpu.memory_space<hbm>> -> memref<160x64xi32, #tpu.memory_space<hbm>>
      tpu.enqueue_dma source(%dma_start3A_43 : memref<160x64xi32, #tpu.memory_space<hbm>>) target(%arg10 : memref<160x64xi32, #tpu.memory_space<vmem>>) target_semaphore(%run_scoped3A : memref<!tpu.dma_semaphore, #tpu.memory_space<semaphore_mem>>)
      %dma_wait3A = arith.constant 0 : i32
      %dma_wait3A_44 = tpu.memref_slice %arg5[%mul3A_6, %dma_wait3A] : memref<5120x64xi32, #tpu.memory_space<hbm>> -> memref<160x64xi32, #tpu.memory_space<hbm>>
      %dma_wait3A_45 = arith.constant 0 : i32
      %dma_wait3A_46 = tpu.memref_slice %arg5[%mul3A_6, %dma_wait3A_45] : memref<5120x64xi32, #tpu.memory_space<hbm>> -> memref<160x64xi32, #tpu.memory_space<hbm>>
      tpu.wait_dma2 semaphore(%run_scoped3A : memref<!tpu.dma_semaphore, #tpu.memory_space<semaphore_mem>>) src(%dma_wait3A_46 : memref<160x64xi32, #tpu.memory_space<hbm>>) dst(%arg10 : memref<160x64xi32, #tpu.memory_space<vmem>>)
      tpu.yield
    }) : () -> ()
    "tpu.region"() ({
      %run_scoped3A = tpu.sem_alloc : memref<!tpu.dma_semaphore, #tpu.memory_space<semaphore_mem>>
      %dma_start3A = arith.constant 0 : i32
      %dma_start3A_41 = tpu.memref_slice %arg12[%mul3A_2, %dma_start3A] : memref<10240x64xf32, #tpu.memory_space<vmem_shared>> -> memref<640x64xf32, #tpu.memory_space<vmem_shared>>
      %dma_start3A_42 = arith.constant 0 : i32
      %dma_start3A_43 = tpu.memref_slice %arg2[%mul3A_2, %dma_start3A_42] : memref<10240x64xf32, #tpu.memory_space<hbm>> -> memref<640x64xf32, #tpu.memory_space<hbm>>
      tpu.enqueue_dma source(%dma_start3A_43 : memref<640x64xf32, #tpu.memory_space<hbm>>) target(%dma_start3A_41 : memref<640x64xf32, #tpu.memory_space<vmem_shared>>) target_semaphore(%run_scoped3A : memref<!tpu.dma_semaphore, #tpu.memory_space<semaphore_mem>>)
      %dma_wait3A = arith.constant 0 : i32
      %dma_wait3A_44 = tpu.memref_slice %arg12[%mul3A_2, %dma_wait3A] : memref<10240x64xf32, #tpu.memory_space<vmem_shared>> -> memref<640x64xf32, #tpu.memory_space<vmem_shared>>
      %dma_wait3A_45 = arith.constant 0 : i32
      %dma_wait3A_46 = tpu.memref_slice %arg2[%mul3A_2, %dma_wait3A_45] : memref<10240x64xf32, #tpu.memory_space<hbm>> -> memref<640x64xf32, #tpu.memory_space<hbm>>
      tpu.wait_dma2 semaphore(%run_scoped3A : memref<!tpu.dma_semaphore, #tpu.memory_space<semaphore_mem>>) src(%dma_wait3A_46 : memref<640x64xf32, #tpu.memory_space<hbm>>) dst(%dma_wait3A_44 : memref<640x64xf32, #tpu.memory_space<vmem_shared>>)
      tpu.yield
    }) : () -> ()
    "tpu.region"() ({
      %run_scoped3A = tpu.sem_alloc : memref<!tpu.dma_semaphore, #tpu.memory_space<semaphore_mem>>
      %dma_start3A = arith.constant 0 : i32
      %dma_start3A_41 = tpu.memref_slice %arg13[%mul3A_2, %dma_start3A] : memref<10240x64xf32, #tpu.memory_space<vmem_shared>> -> memref<640x64xf32, #tpu.memory_space<vmem_shared>>
      %dma_start3A_42 = arith.constant 0 : i32
      %dma_start3A_43 = tpu.memref_slice %arg6[%mul3A_2, %dma_start3A_42] : memref<10240x64xf32, #tpu.memory_space<hbm>> -> memref<640x64xf32, #tpu.memory_space<hbm>>
      tpu.enqueue_dma source(%dma_start3A_43 : memref<640x64xf32, #tpu.memory_space<hbm>>) target(%dma_start3A_41 : memref<640x64xf32, #tpu.memory_space<vmem_shared>>) target_semaphore(%run_scoped3A : memref<!tpu.dma_semaphore, #tpu.memory_space<semaphore_mem>>)
      %dma_wait3A = arith.constant 0 : i32
      %dma_wait3A_44 = tpu.memref_slice %arg13[%mul3A_2, %dma_wait3A] : memref<10240x64xf32, #tpu.memory_space<vmem_shared>> -> memref<640x64xf32, #tpu.memory_space<vmem_shared>>
      %dma_wait3A_45 = arith.constant 0 : i32
      %dma_wait3A_46 = tpu.memref_slice %arg6[%mul3A_2, %dma_wait3A_45] : memref<10240x64xf32, #tpu.memory_space<hbm>> -> memref<640x64xf32, #tpu.memory_space<hbm>>
      tpu.wait_dma2 semaphore(%run_scoped3A : memref<!tpu.dma_semaphore, #tpu.memory_space<semaphore_mem>>) src(%dma_wait3A_46 : memref<640x64xf32, #tpu.memory_space<hbm>>) dst(%dma_wait3A_44 : memref<640x64xf32, #tpu.memory_space<vmem_shared>>)
      tpu.yield
    }) : () -> ()
    %barrier3A = arith.constant 0 : index
    tpu.barrier barrier_id(%barrier3A)
    %scan3A = arith.constant 0 : i32
    %scan3A_7 = arith.constant 6 : i32
    %scan3A_8 = arith.addi %scan3A, %scan3A_7 : i32
    %scan3A_9 = arith.constant 1 : i32
    scf.for %scan3A_41 = %scan3A to %scan3A_8 step %scan3A_9  : i32 {
      %mul3A_42 = arith.constant 1 : i32
      %mul3A_43 = arith.muli %scan3A_41, %mul3A_42 : i32
      %add3A_44 = arith.constant 0 : i32
      %add3A_45 = arith.addi %add3A_44, %mul3A_43 : i32
      %dma_start3A = arith.constant 0 : i32
      %dma_start3A_46 = arith.constant 0 : i32
      %dma_start3A_47 = tpu.memref_slice %arg11[%add3A_45, %dma_start3A, %dma_start3A_46] : memref<6x64x64xf32, #tpu.memory_space<vmem>> -> memref<1x64x64xf32, #tpu.memory_space<vmem>>
      %dma_start3A_48 = tpu.memref_squeeze %dma_start3A_47 : memref<1x64x64xf32, #tpu.memory_space<vmem>> -> memref<64x64xf32, #tpu.memory_space<vmem>>
      %dma_start3A_49 = arith.constant 0 : i32
      %dma_start3A_50 = tpu.memref_slice %arg9[%add3A_45, %dma_start3A_49] : memref<160x64xi32, #tpu.memory_space<vmem>> -> memref<1x64xi32, #tpu.memory_space<vmem>>
      %dma_start3A_51 = tpu.memref_squeeze %dma_start3A_50 : memref<1x64xi32, #tpu.memory_space<vmem>> -> memref<64xi32, #tpu.memory_space<vmem>>
      %dma_start3A_52 = arith.constant 0 : i32
      %dma_start3A_53 = arith.constant 0 : i32
      %dma_start3A_54 = tpu.memref_slice %arg12[%dma_start3A_52, %dma_start3A_53] : memref<10240x64xf32, #tpu.memory_space<vmem_shared>> -> memref<10240x64xf32, #tpu.memory_space<vmem_shared>>
      %dma_start3A_55 = tpu.memref_slice %arg14[%add3A_45] : memref<6x!tpu.dma_semaphore, #tpu.memory_space<semaphore_mem>> -> memref<1x!tpu.dma_semaphore, #tpu.memory_space<semaphore_mem>>
      %dma_start3A_56 = tpu.memref_squeeze %dma_start3A_55 : memref<1x!tpu.dma_semaphore, #tpu.memory_space<semaphore_mem>> -> memref<!tpu.dma_semaphore, #tpu.memory_space<semaphore_mem>>
      tpu.enqueue_indirect_dma source(%dma_start3A_54 : memref<10240x64xf32, #tpu.memory_space<vmem_shared>>) target(%dma_start3A_48 : memref<64x64xf32, #tpu.memory_space<vmem>>) offsets(%dma_start3A_51 : memref<64xi32, #tpu.memory_space<vmem>>) semaphore(%dma_start3A_56 : memref<!tpu.dma_semaphore, #tpu.memory_space<semaphore_mem>>)
    }
    %scan3A_10 = arith.constant 6 : i32
    %scan3A_11 = arith.constant 0 : i32
    %scan3A_12 = arith.constant 154 : i32
    %scan3A_13 = arith.addi %scan3A_11, %scan3A_12 : i32
    %scan3A_14 = arith.constant 1 : i32
    scf.for %scan3A_41 = %scan3A_11 to %scan3A_13 step %scan3A_14  : i32 {
      %mul3A_42 = arith.constant 1 : i32
      %mul3A_43 = arith.muli %scan3A_41, %mul3A_42 : i32
      %add3A_44 = arith.constant 0 : i32
      %add3A_45 = arith.addi %add3A_44, %mul3A_43 : i32
      %rem3A = arith.constant 6 : i32
      %rem3A_46 = arith.remsi %add3A_45, %rem3A : i32
      %dma_wait3A = arith.constant 0 : i32
      %dma_wait3A_47 = arith.constant 0 : i32
      %dma_wait3A_48 = arith.constant 0 : i32
      %dma_wait3A_49 = tpu.memref_slice %arg11[%rem3A_46, %dma_wait3A_47, %dma_wait3A_48] : memref<6x64x64xf32, #tpu.memory_space<vmem>> -> memref<1x64x64xf32, #tpu.memory_space<vmem>>
      %dma_wait3A_50 = tpu.memref_squeeze %dma_wait3A_49 : memref<1x64x64xf32, #tpu.memory_space<vmem>> -> memref<64x64xf32, #tpu.memory_space<vmem>>
      %dma_wait3A_51 = arith.constant 0 : i32
      %dma_wait3A_52 = tpu.memref_slice %arg9[%dma_wait3A, %dma_wait3A_51] : memref<160x64xi32, #tpu.memory_space<vmem>> -> memref<1x64xi32, #tpu.memory_space<vmem>>
      %dma_wait3A_53 = tpu.memref_squeeze %dma_wait3A_52 : memref<1x64xi32, #tpu.memory_space<vmem>> -> memref<64xi32, #tpu.memory_space<vmem>>
      %dma_wait3A_54 = arith.constant 0 : i32
      %dma_wait3A_55 = arith.constant 0 : i32
      %dma_wait3A_56 = tpu.memref_slice %arg12[%dma_wait3A_54, %dma_wait3A_55] : memref<10240x64xf32, #tpu.memory_space<vmem_shared>> -> memref<10240x64xf32, #tpu.memory_space<vmem_shared>>
      %dma_wait3A_57 = tpu.memref_slice %arg14[%rem3A_46] : memref<6x!tpu.dma_semaphore, #tpu.memory_space<semaphore_mem>> -> memref<1x!tpu.dma_semaphore, #tpu.memory_space<semaphore_mem>>
      %dma_wait3A_58 = tpu.memref_squeeze %dma_wait3A_57 : memref<1x!tpu.dma_semaphore, #tpu.memory_space<semaphore_mem>> -> memref<!tpu.dma_semaphore, #tpu.memory_space<semaphore_mem>>
      tpu.wait_indirect_dma semaphore(%dma_wait3A_58 : memref<!tpu.dma_semaphore, #tpu.memory_space<semaphore_mem>>) src(%dma_wait3A_56 : memref<10240x64xf32, #tpu.memory_space<vmem_shared>>) dst(%dma_wait3A_50 : memref<64x64xf32, #tpu.memory_space<vmem>>)
      "tpu.region"() ({
        %run_scoped3A = tpu.sem_alloc : memref<!tpu.dma_semaphore, #tpu.memory_space<semaphore_mem>>
        %dma_start3A_72 = arith.constant 0 : i32
        %dma_start3A_73 = arith.constant 0 : i32
        %dma_start3A_74 = tpu.memref_slice %arg11[%rem3A_46, %dma_start3A_72, %dma_start3A_73] : memref<6x64x64xf32, #tpu.memory_space<vmem>> -> memref<1x64x64xf32, #tpu.memory_space<vmem>>
        %dma_start3A_75 = tpu.memref_squeeze %dma_start3A_74 : memref<1x64x64xf32, #tpu.memory_space<vmem>> -> memref<64x64xf32, #tpu.memory_space<vmem>>
        %dma_start3A_76 = arith.constant 0 : i32
        %dma_start3A_77 = tpu.memref_slice %arg10[%add3A_45, %dma_start3A_76] : memref<160x64xi32, #tpu.memory_space<vmem>> -> memref<1x64xi32, #tpu.memory_space<vmem>>
        %dma_start3A_78 = tpu.memref_squeeze %dma_start3A_77 : memref<1x64xi32, #tpu.memory_space<vmem>> -> memref<64xi32, #tpu.memory_space<vmem>>
        %dma_start3A_79 = arith.constant 0 : i32
        %dma_start3A_80 = arith.constant 0 : i32
        %dma_start3A_81 = tpu.memref_slice %arg13[%dma_start3A_79, %dma_start3A_80] : memref<10240x64xf32, #tpu.memory_space<vmem_shared>> -> memref<10240x64xf32, #tpu.memory_space<vmem_shared>>
        tpu.enqueue_indirect_dma source(%dma_start3A_75 : memref<64x64xf32, #tpu.memory_space<vmem>>) target(%dma_start3A_81 : memref<10240x64xf32, #tpu.memory_space<vmem_shared>>) offsets(%dma_start3A_78 : memref<64xi32, #tpu.memory_space<vmem>>) semaphore(%run_scoped3A : memref<!tpu.dma_semaphore, #tpu.memory_space<semaphore_mem>>) {add = true}
        %dma_wait3A_82 = arith.constant 0 : i32
        %dma_wait3A_83 = arith.constant 0 : i32
        %dma_wait3A_84 = tpu.memref_slice %arg11[%rem3A_46, %dma_wait3A_82, %dma_wait3A_83] : memref<6x64x64xf32, #tpu.memory_space<vmem>> -> memref<1x64x64xf32, #tpu.memory_space<vmem>>
        %dma_wait3A_85 = tpu.memref_squeeze %dma_wait3A_84 : memref<1x64x64xf32, #tpu.memory_space<vmem>> -> memref<64x64xf32, #tpu.memory_space<vmem>>
        %dma_wait3A_86 = arith.constant 0 : i32
        %dma_wait3A_87 = tpu.memref_slice %arg10[%add3A_45, %dma_wait3A_86] : memref<160x64xi32, #tpu.memory_space<vmem>> -> memref<1x64xi32, #tpu.memory_space<vmem>>
        %dma_wait3A_88 = tpu.memref_squeeze %dma_wait3A_87 : memref<1x64xi32, #tpu.memory_space<vmem>> -> memref<64xi32, #tpu.memory_space<vmem>>
        %dma_wait3A_89 = arith.constant 0 : i32
        %dma_wait3A_90 = arith.constant 0 : i32
        %dma_wait3A_91 = tpu.memref_slice %arg13[%dma_wait3A_89, %dma_wait3A_90] : memref<10240x64xf32, #tpu.memory_space<vmem_shared>> -> memref<10240x64xf32, #tpu.memory_space<vmem_shared>>
        tpu.wait_indirect_dma semaphore(%run_scoped3A : memref<!tpu.dma_semaphore, #tpu.memory_space<semaphore_mem>>) src(%dma_wait3A_85 : memref<64x64xf32, #tpu.memory_space<vmem>>) dst(%dma_wait3A_91 : memref<10240x64xf32, #tpu.memory_space<vmem_shared>>)
        tpu.yield
      }) : () -> ()
      %add3A_59 = arith.constant 6 : i32
      %add3A_60 = arith.addi %add3A_45, %add3A_59 : i32
      %dma_start3A = arith.constant 0 : i32
      %dma_start3A_61 = arith.constant 0 : i32
      %dma_start3A_62 = tpu.memref_slice %arg11[%rem3A_46, %dma_start3A, %dma_start3A_61] : memref<6x64x64xf32, #tpu.memory_space<vmem>> -> memref<1x64x64xf32, #tpu.memory_space<vmem>>
      %dma_start3A_63 = tpu.memref_squeeze %dma_start3A_62 : memref<1x64x64xf32, #tpu.memory_space<vmem>> -> memref<64x64xf32, #tpu.memory_space<vmem>>
      %dma_start3A_64 = arith.constant 0 : i32
      %dma_start3A_65 = tpu.memref_slice %arg9[%add3A_60, %dma_start3A_64] : memref<160x64xi32, #tpu.memory_space<vmem>> -> memref<1x64xi32, #tpu.memory_space<vmem>>
      %dma_start3A_66 = tpu.memref_squeeze %dma_start3A_65 : memref<1x64xi32, #tpu.memory_space<vmem>> -> memref<64xi32, #tpu.memory_space<vmem>>
      %dma_start3A_67 = arith.constant 0 : i32
      %dma_start3A_68 = arith.constant 0 : i32
      %dma_start3A_69 = tpu.memref_slice %arg12[%dma_start3A_67, %dma_start3A_68] : memref<10240x64xf32, #tpu.memory_space<vmem_shared>> -> memref<10240x64xf32, #tpu.memory_space<vmem_shared>>
      %dma_start3A_70 = tpu.memref_slice %arg14[%rem3A_46] : memref<6x!tpu.dma_semaphore, #tpu.memory_space<semaphore_mem>> -> memref<1x!tpu.dma_semaphore, #tpu.memory_space<semaphore_mem>>
      %dma_start3A_71 = tpu.memref_squeeze %dma_start3A_70 : memref<1x!tpu.dma_semaphore, #tpu.memory_space<semaphore_mem>> -> memref<!tpu.dma_semaphore, #tpu.memory_space<semaphore_mem>>
      tpu.enqueue_indirect_dma source(%dma_start3A_69 : memref<10240x64xf32, #tpu.memory_space<vmem_shared>>) target(%dma_start3A_63 : memref<64x64xf32, #tpu.memory_space<vmem>>) offsets(%dma_start3A_66 : memref<64xi32, #tpu.memory_space<vmem>>) semaphore(%dma_start3A_71 : memref<!tpu.dma_semaphore, #tpu.memory_space<semaphore_mem>>)
    }
    %scan3A_15 = arith.constant 154 : i32
    %scan3A_16 = arith.constant 0 : i32
    %scan3A_17 = arith.constant 6 : i32
    %scan3A_18 = arith.addi %scan3A_16, %scan3A_17 : i32
    %scan3A_19 = arith.constant 1 : i32
    scf.for %scan3A_41 = %scan3A_16 to %scan3A_18 step %scan3A_19  : i32 {
      %mul3A_42 = arith.constant 1 : i32
      %mul3A_43 = arith.muli %scan3A_41, %mul3A_42 : i32
      %add3A_44 = arith.constant 154 : i32
      %add3A_45 = arith.addi %add3A_44, %mul3A_43 : i32
      %rem3A = arith.constant 6 : i32
      %rem3A_46 = arith.remsi %add3A_45, %rem3A : i32
      %dma_wait3A = arith.constant 0 : i32
      %dma_wait3A_47 = arith.constant 0 : i32
      %dma_wait3A_48 = arith.constant 0 : i32
      %dma_wait3A_49 = tpu.memref_slice %arg11[%rem3A_46, %dma_wait3A_47, %dma_wait3A_48] : memref<6x64x64xf32, #tpu.memory_space<vmem>> -> memref<1x64x64xf32, #tpu.memory_space<vmem>>
      %dma_wait3A_50 = tpu.memref_squeeze %dma_wait3A_49 : memref<1x64x64xf32, #tpu.memory_space<vmem>> -> memref<64x64xf32, #tpu.memory_space<vmem>>
      %dma_wait3A_51 = arith.constant 0 : i32
      %dma_wait3A_52 = tpu.memref_slice %arg9[%dma_wait3A, %dma_wait3A_51] : memref<160x64xi32, #tpu.memory_space<vmem>> -> memref<1x64xi32, #tpu.memory_space<vmem>>
      %dma_wait3A_53 = tpu.memref_squeeze %dma_wait3A_52 : memref<1x64xi32, #tpu.memory_space<vmem>> -> memref<64xi32, #tpu.memory_space<vmem>>
      %dma_wait3A_54 = arith.constant 0 : i32
      %dma_wait3A_55 = arith.constant 0 : i32
      %dma_wait3A_56 = tpu.memref_slice %arg12[%dma_wait3A_54, %dma_wait3A_55] : memref<10240x64xf32, #tpu.memory_space<vmem_shared>> -> memref<10240x64xf32, #tpu.memory_space<vmem_shared>>
      %dma_wait3A_57 = tpu.memref_slice %arg14[%rem3A_46] : memref<6x!tpu.dma_semaphore, #tpu.memory_space<semaphore_mem>> -> memref<1x!tpu.dma_semaphore, #tpu.memory_space<semaphore_mem>>
      %dma_wait3A_58 = tpu.memref_squeeze %dma_wait3A_57 : memref<1x!tpu.dma_semaphore, #tpu.memory_space<semaphore_mem>> -> memref<!tpu.dma_semaphore, #tpu.memory_space<semaphore_mem>>
      tpu.wait_indirect_dma semaphore(%dma_wait3A_58 : memref<!tpu.dma_semaphore, #tpu.memory_space<semaphore_mem>>) src(%dma_wait3A_56 : memref<10240x64xf32, #tpu.memory_space<vmem_shared>>) dst(%dma_wait3A_50 : memref<64x64xf32, #tpu.memory_space<vmem>>)
      "tpu.region"() ({
        %run_scoped3A = tpu.sem_alloc : memref<!tpu.dma_semaphore, #tpu.memory_space<semaphore_mem>>
        %dma_start3A = arith.constant 0 : i32
        %dma_start3A_59 = arith.constant 0 : i32
        %dma_start3A_60 = tpu.memref_slice %arg11[%rem3A_46, %dma_start3A, %dma_start3A_59] : memref<6x64x64xf32, #tpu.memory_space<vmem>> -> memref<1x64x64xf32, #tpu.memory_space<vmem>>
        %dma_start3A_61 = tpu.memref_squeeze %dma_start3A_60 : memref<1x64x64xf32, #tpu.memory_space<vmem>> -> memref<64x64xf32, #tpu.memory_space<vmem>>
        %dma_start3A_62 = arith.constant 0 : i32
        %dma_start3A_63 = tpu.memref_slice %arg10[%add3A_45, %dma_start3A_62] : memref<160x64xi32, #tpu.memory_space<vmem>> -> memref<1x64xi32, #tpu.memory_space<vmem>>
        %dma_start3A_64 = tpu.memref_squeeze %dma_start3A_63 : memref<1x64xi32, #tpu.memory_space<vmem>> -> memref<64xi32, #tpu.memory_space<vmem>>
        %dma_start3A_65 = arith.constant 0 : i32
        %dma_start3A_66 = arith.constant 0 : i32
        %dma_start3A_67 = tpu.memref_slice %arg13[%dma_start3A_65, %dma_start3A_66] : memref<10240x64xf32, #tpu.memory_space<vmem_shared>> -> memref<10240x64xf32, #tpu.memory_space<vmem_shared>>
        tpu.enqueue_indirect_dma source(%dma_start3A_61 : memref<64x64xf32, #tpu.memory_space<vmem>>) target(%dma_start3A_67 : memref<10240x64xf32, #tpu.memory_space<vmem_shared>>) offsets(%dma_start3A_64 : memref<64xi32, #tpu.memory_space<vmem>>) semaphore(%run_scoped3A : memref<!tpu.dma_semaphore, #tpu.memory_space<semaphore_mem>>) {add = true}
        %dma_wait3A_68 = arith.constant 0 : i32
        %dma_wait3A_69 = arith.constant 0 : i32
        %dma_wait3A_70 = tpu.memref_slice %arg11[%rem3A_46, %dma_wait3A_68, %dma_wait3A_69] : memref<6x64x64xf32, #tpu.memory_space<vmem>> -> memref<1x64x64xf32, #tpu.memory_space<vmem>>
        %dma_wait3A_71 = tpu.memref_squeeze %dma_wait3A_70 : memref<1x64x64xf32, #tpu.memory_space<vmem>> -> memref<64x64xf32, #tpu.memory_space<vmem>>
        %dma_wait3A_72 = arith.constant 0 : i32
        %dma_wait3A_73 = tpu.memref_slice %arg10[%add3A_45, %dma_wait3A_72] : memref<160x64xi32, #tpu.memory_space<vmem>> -> memref<1x64xi32, #tpu.memory_space<vmem>>
        %dma_wait3A_74 = tpu.memref_squeeze %dma_wait3A_73 : memref<1x64xi32, #tpu.memory_space<vmem>> -> memref<64xi32, #tpu.memory_space<vmem>>
        %dma_wait3A_75 = arith.constant 0 : i32
        %dma_wait3A_76 = arith.constant 0 : i32
        %dma_wait3A_77 = tpu.memref_slice %arg13[%dma_wait3A_75, %dma_wait3A_76] : memref<10240x64xf32, #tpu.memory_space<vmem_shared>> -> memref<10240x64xf32, #tpu.memory_space<vmem_shared>>
        tpu.wait_indirect_dma semaphore(%run_scoped3A : memref<!tpu.dma_semaphore, #tpu.memory_space<semaphore_mem>>) src(%dma_wait3A_71 : memref<64x64xf32, #tpu.memory_space<vmem>>) dst(%dma_wait3A_77 : memref<10240x64xf32, #tpu.memory_space<vmem_shared>>)
        tpu.yield
      }) : () -> ()
    }
    %scan3A_20 = arith.constant 6 : i32
    %barrier3A_21 = arith.constant 0 : index
    tpu.barrier barrier_id(%barrier3A_21)
    "tpu.region"() ({
      %run_scoped3A = tpu.sem_alloc : memref<!tpu.dma_semaphore, #tpu.memory_space<semaphore_mem>>
      %dma_start3A = arith.constant 0 : i32
      %dma_start3A_41 = tpu.memref_slice %arg7[%arg0, %mul3A_2, %dma_start3A] : memref<2x10240x64xf32, #tpu.memory_space<hbm>> -> memref<1x640x64xf32, #tpu.memory_space<hbm>>
      %dma_start3A_42 = tpu.memref_squeeze %dma_start3A_41 : memref<1x640x64xf32, #tpu.memory_space<hbm>> -> memref<640x64xf32, #tpu.memory_space<hbm>>
      %dma_start3A_43 = arith.constant 0 : i32
      %dma_start3A_44 = tpu.memref_slice %arg13[%mul3A_2, %dma_start3A_43] : memref<10240x64xf32, #tpu.memory_space<vmem_shared>> -> memref<640x64xf32, #tpu.memory_space<vmem_shared>>
      tpu.enqueue_dma source(%dma_start3A_44 : memref<640x64xf32, #tpu.memory_space<vmem_shared>>) target(%dma_start3A_42 : memref<640x64xf32, #tpu.memory_space<hbm>>) target_semaphore(%run_scoped3A : memref<!tpu.dma_semaphore, #tpu.memory_space<semaphore_mem>>)
      %dma_wait3A = arith.constant 0 : i32
      %dma_wait3A_45 = tpu.memref_slice %arg7[%arg0, %mul3A_2, %dma_wait3A] : memref<2x10240x64xf32, #tpu.memory_space<hbm>> -> memref<1x640x64xf32, #tpu.memory_space<hbm>>
      %dma_wait3A_46 = tpu.memref_squeeze %dma_wait3A_45 : memref<1x640x64xf32, #tpu.memory_space<hbm>> -> memref<640x64xf32, #tpu.memory_space<hbm>>
      %dma_wait3A_47 = arith.constant 0 : i32
      %dma_wait3A_48 = tpu.memref_slice %arg13[%mul3A_2, %dma_wait3A_47] : memref<10240x64xf32, #tpu.memory_space<vmem_shared>> -> memref<640x64xf32, #tpu.memory_space<vmem_shared>>
      tpu.wait_dma2 semaphore(%run_scoped3A : memref<!tpu.dma_semaphore, #tpu.memory_space<semaphore_mem>>) src(%dma_wait3A_48 : memref<640x64xf32, #tpu.memory_space<vmem_shared>>) dst(%dma_wait3A_46 : memref<640x64xf32, #tpu.memory_space<hbm>>)
      tpu.yield
    }) : () -> ()
    %barrier3A_22 = arith.constant 0 : index
    tpu.barrier barrier_id(%barrier3A_22)
    "tpu.region"() ({
      %run_scoped3A = tpu.sem_alloc : memref<!tpu.dma_semaphore, #tpu.memory_space<semaphore_mem>>
      %dma_start3A = arith.constant 0 : i32
      %dma_start3A_41 = tpu.memref_slice %arg12[%mul3A_2, %dma_start3A] : memref<10240x64xf32, #tpu.memory_space<vmem_shared>> -> memref<640x64xf32, #tpu.memory_space<vmem_shared>>
      %dma_start3A_42 = arith.constant 0 : i32
      %dma_start3A_43 = tpu.memref_slice %arg3[%mul3A_2, %dma_start3A_42] : memref<10240x64xf32, #tpu.memory_space<hbm>> -> memref<640x64xf32, #tpu.memory_space<hbm>>
      tpu.enqueue_dma source(%dma_start3A_43 : memref<640x64xf32, #tpu.memory_space<hbm>>) target(%dma_start3A_41 : memref<640x64xf32, #tpu.memory_space<vmem_shared>>) target_semaphore(%run_scoped3A : memref<!tpu.dma_semaphore, #tpu.memory_space<semaphore_mem>>)
      %dma_wait3A = arith.constant 0 : i32
      %dma_wait3A_44 = tpu.memref_slice %arg12[%mul3A_2, %dma_wait3A] : memref<10240x64xf32, #tpu.memory_space<vmem_shared>> -> memref<640x64xf32, #tpu.memory_space<vmem_shared>>
      %dma_wait3A_45 = arith.constant 0 : i32
      %dma_wait3A_46 = tpu.memref_slice %arg3[%mul3A_2, %dma_wait3A_45] : memref<10240x64xf32, #tpu.memory_space<hbm>> -> memref<640x64xf32, #tpu.memory_space<hbm>>
      tpu.wait_dma2 semaphore(%run_scoped3A : memref<!tpu.dma_semaphore, #tpu.memory_space<semaphore_mem>>) src(%dma_wait3A_46 : memref<640x64xf32, #tpu.memory_space<hbm>>) dst(%dma_wait3A_44 : memref<640x64xf32, #tpu.memory_space<vmem_shared>>)
      tpu.yield
    }) : () -> ()
    "tpu.region"() ({
      %run_scoped3A = tpu.sem_alloc : memref<!tpu.dma_semaphore, #tpu.memory_space<semaphore_mem>>
      %dma_start3A = arith.constant 0 : i32
      %dma_start3A_41 = tpu.memref_slice %arg13[%mul3A_2, %dma_start3A] : memref<10240x64xf32, #tpu.memory_space<vmem_shared>> -> memref<640x64xf32, #tpu.memory_space<vmem_shared>>
      %dma_start3A_42 = arith.constant 0 : i32
      %dma_start3A_43 = tpu.memref_slice %arg6[%mul3A_2, %dma_start3A_42] : memref<10240x64xf32, #tpu.memory_space<hbm>> -> memref<640x64xf32, #tpu.memory_space<hbm>>
      tpu.enqueue_dma source(%dma_start3A_43 : memref<640x64xf32, #tpu.memory_space<hbm>>) target(%dma_start3A_41 : memref<640x64xf32, #tpu.memory_space<vmem_shared>>) target_semaphore(%run_scoped3A : memref<!tpu.dma_semaphore, #tpu.memory_space<semaphore_mem>>)
      %dma_wait3A = arith.constant 0 : i32
      %dma_wait3A_44 = tpu.memref_slice %arg13[%mul3A_2, %dma_wait3A] : memref<10240x64xf32, #tpu.memory_space<vmem_shared>> -> memref<640x64xf32, #tpu.memory_space<vmem_shared>>
      %dma_wait3A_45 = arith.constant 0 : i32
      %dma_wait3A_46 = tpu.memref_slice %arg6[%mul3A_2, %dma_wait3A_45] : memref<10240x64xf32, #tpu.memory_space<hbm>> -> memref<640x64xf32, #tpu.memory_space<hbm>>
      tpu.wait_dma2 semaphore(%run_scoped3A : memref<!tpu.dma_semaphore, #tpu.memory_space<semaphore_mem>>) src(%dma_wait3A_46 : memref<640x64xf32, #tpu.memory_space<hbm>>) dst(%dma_wait3A_44 : memref<640x64xf32, #tpu.memory_space<vmem_shared>>)
      tpu.yield
    }) : () -> ()
    %barrier3A_23 = arith.constant 0 : index
    tpu.barrier barrier_id(%barrier3A_23)
    %scan3A_24 = arith.constant 0 : i32
    %scan3A_25 = arith.constant 6 : i32
    %scan3A_26 = arith.addi %scan3A_24, %scan3A_25 : i32
    %scan3A_27 = arith.constant 1 : i32
    scf.for %scan3A_41 = %scan3A_24 to %scan3A_26 step %scan3A_27  : i32 {
      %mul3A_42 = arith.constant 1 : i32
      %mul3A_43 = arith.muli %scan3A_41, %mul3A_42 : i32
      %add3A_44 = arith.constant 0 : i32
      %add3A_45 = arith.addi %add3A_44, %mul3A_43 : i32
      %dma_start3A = arith.constant 0 : i32
      %dma_start3A_46 = arith.constant 0 : i32
      %dma_start3A_47 = tpu.memref_slice %arg11[%add3A_45, %dma_start3A, %dma_start3A_46] : memref<6x64x64xf32, #tpu.memory_space<vmem>> -> memref<1x64x64xf32, #tpu.memory_space<vmem>>
      %dma_start3A_48 = tpu.memref_squeeze %dma_start3A_47 : memref<1x64x64xf32, #tpu.memory_space<vmem>> -> memref<64x64xf32, #tpu.memory_space<vmem>>
      %dma_start3A_49 = arith.constant 0 : i32
      %dma_start3A_50 = tpu.memref_slice %arg9[%add3A_45, %dma_start3A_49] : memref<160x64xi32, #tpu.memory_space<vmem>> -> memref<1x64xi32, #tpu.memory_space<vmem>>
      %dma_start3A_51 = tpu.memref_squeeze %dma_start3A_50 : memref<1x64xi32, #tpu.memory_space<vmem>> -> memref<64xi32, #tpu.memory_space<vmem>>
      %dma_start3A_52 = arith.constant 0 : i32
      %dma_start3A_53 = arith.constant 0 : i32
      %dma_start3A_54 = tpu.memref_slice %arg12[%dma_start3A_52, %dma_start3A_53] : memref<10240x64xf32, #tpu.memory_space<vmem_shared>> -> memref<10240x64xf32, #tpu.memory_space<vmem_shared>>
      %dma_start3A_55 = tpu.memref_slice %arg14[%add3A_45] : memref<6x!tpu.dma_semaphore, #tpu.memory_space<semaphore_mem>> -> memref<1x!tpu.dma_semaphore, #tpu.memory_space<semaphore_mem>>
      %dma_start3A_56 = tpu.memref_squeeze %dma_start3A_55 : memref<1x!tpu.dma_semaphore, #tpu.memory_space<semaphore_mem>> -> memref<!tpu.dma_semaphore, #tpu.memory_space<semaphore_mem>>
      tpu.enqueue_indirect_dma source(%dma_start3A_54 : memref<10240x64xf32, #tpu.memory_space<vmem_shared>>) target(%dma_start3A_48 : memref<64x64xf32, #tpu.memory_space<vmem>>) offsets(%dma_start3A_51 : memref<64xi32, #tpu.memory_space<vmem>>) semaphore(%dma_start3A_56 : memref<!tpu.dma_semaphore, #tpu.memory_space<semaphore_mem>>)
    }
    %scan3A_28 = arith.constant 6 : i32
    %scan3A_29 = arith.constant 0 : i32
    %scan3A_30 = arith.constant 154 : i32
    %scan3A_31 = arith.addi %scan3A_29, %scan3A_30 : i32
    %scan3A_32 = arith.constant 1 : i32
    scf.for %scan3A_41 = %scan3A_29 to %scan3A_31 step %scan3A_32  : i32 {
      %mul3A_42 = arith.constant 1 : i32
      %mul3A_43 = arith.muli %scan3A_41, %mul3A_42 : i32
      %add3A_44 = arith.constant 0 : i32
      %add3A_45 = arith.addi %add3A_44, %mul3A_43 : i32
      %rem3A = arith.constant 6 : i32
      %rem3A_46 = arith.remsi %add3A_45, %rem3A : i32
      %dma_wait3A = arith.constant 0 : i32
      %dma_wait3A_47 = arith.constant 0 : i32
      %dma_wait3A_48 = arith.constant 0 : i32
      %dma_wait3A_49 = tpu.memref_slice %arg11[%rem3A_46, %dma_wait3A_47, %dma_wait3A_48] : memref<6x64x64xf32, #tpu.memory_space<vmem>> -> memref<1x64x64xf32, #tpu.memory_space<vmem>>
      %dma_wait3A_50 = tpu.memref_squeeze %dma_wait3A_49 : memref<1x64x64xf32, #tpu.memory_space<vmem>> -> memref<64x64xf32, #tpu.memory_space<vmem>>
      %dma_wait3A_51 = arith.constant 0 : i32
      %dma_wait3A_52 = tpu.memref_slice %arg9[%dma_wait3A, %dma_wait3A_51] : memref<160x64xi32, #tpu.memory_space<vmem>> -> memref<1x64xi32, #tpu.memory_space<vmem>>
      %dma_wait3A_53 = tpu.memref_squeeze %dma_wait3A_52 : memref<1x64xi32, #tpu.memory_space<vmem>> -> memref<64xi32, #tpu.memory_space<vmem>>
      %dma_wait3A_54 = arith.constant 0 : i32
      %dma_wait3A_55 = arith.constant 0 : i32
      %dma_wait3A_56 = tpu.memref_slice %arg12[%dma_wait3A_54, %dma_wait3A_55] : memref<10240x64xf32, #tpu.memory_space<vmem_shared>> -> memref<10240x64xf32, #tpu.memory_space<vmem_shared>>
      %dma_wait3A_57 = tpu.memref_slice %arg14[%rem3A_46] : memref<6x!tpu.dma_semaphore, #tpu.memory_space<semaphore_mem>> -> memref<1x!tpu.dma_semaphore, #tpu.memory_space<semaphore_mem>>
      %dma_wait3A_58 = tpu.memref_squeeze %dma_wait3A_57 : memref<1x!tpu.dma_semaphore, #tpu.memory_space<semaphore_mem>> -> memref<!tpu.dma_semaphore, #tpu.memory_space<semaphore_mem>>
      tpu.wait_indirect_dma semaphore(%dma_wait3A_58 : memref<!tpu.dma_semaphore, #tpu.memory_space<semaphore_mem>>) src(%dma_wait3A_56 : memref<10240x64xf32, #tpu.memory_space<vmem_shared>>) dst(%dma_wait3A_50 : memref<64x64xf32, #tpu.memory_space<vmem>>)
      "tpu.region"() ({
        %run_scoped3A = tpu.sem_alloc : memref<!tpu.dma_semaphore, #tpu.memory_space<semaphore_mem>>
        %dma_start3A_72 = arith.constant 0 : i32
        %dma_start3A_73 = arith.constant 0 : i32
        %dma_start3A_74 = tpu.memref_slice %arg11[%rem3A_46, %dma_start3A_72, %dma_start3A_73] : memref<6x64x64xf32, #tpu.memory_space<vmem>> -> memref<1x64x64xf32, #tpu.memory_space<vmem>>
        %dma_start3A_75 = tpu.memref_squeeze %dma_start3A_74 : memref<1x64x64xf32, #tpu.memory_space<vmem>> -> memref<64x64xf32, #tpu.memory_space<vmem>>
        %dma_start3A_76 = arith.constant 0 : i32
        %dma_start3A_77 = tpu.memref_slice %arg10[%add3A_45, %dma_start3A_76] : memref<160x64xi32, #tpu.memory_space<vmem>> -> memref<1x64xi32, #tpu.memory_space<vmem>>
        %dma_start3A_78 = tpu.memref_squeeze %dma_start3A_77 : memref<1x64xi32, #tpu.memory_space<vmem>> -> memref<64xi32, #tpu.memory_space<vmem>>
        %dma_start3A_79 = arith.constant 0 : i32
        %dma_start3A_80 = arith.constant 0 : i32
        %dma_start3A_81 = tpu.memref_slice %arg13[%dma_start3A_79, %dma_start3A_80] : memref<10240x64xf32, #tpu.memory_space<vmem_shared>> -> memref<10240x64xf32, #tpu.memory_space<vmem_shared>>
        tpu.enqueue_indirect_dma source(%dma_start3A_75 : memref<64x64xf32, #tpu.memory_space<vmem>>) target(%dma_start3A_81 : memref<10240x64xf32, #tpu.memory_space<vmem_shared>>) offsets(%dma_start3A_78 : memref<64xi32, #tpu.memory_space<vmem>>) semaphore(%run_scoped3A : memref<!tpu.dma_semaphore, #tpu.memory_space<semaphore_mem>>) {add = true}
        %dma_wait3A_82 = arith.constant 0 : i32
        %dma_wait3A_83 = arith.constant 0 : i32
        %dma_wait3A_84 = tpu.memref_slice %arg11[%rem3A_46, %dma_wait3A_82, %dma_wait3A_83] : memref<6x64x64xf32, #tpu.memory_space<vmem>> -> memref<1x64x64xf32, #tpu.memory_space<vmem>>
        %dma_wait3A_85 = tpu.memref_squeeze %dma_wait3A_84 : memref<1x64x64xf32, #tpu.memory_space<vmem>> -> memref<64x64xf32, #tpu.memory_space<vmem>>
        %dma_wait3A_86 = arith.constant 0 : i32
        %dma_wait3A_87 = tpu.memref_slice %arg10[%add3A_45, %dma_wait3A_86] : memref<160x64xi32, #tpu.memory_space<vmem>> -> memref<1x64xi32, #tpu.memory_space<vmem>>
        %dma_wait3A_88 = tpu.memref_squeeze %dma_wait3A_87 : memref<1x64xi32, #tpu.memory_space<vmem>> -> memref<64xi32, #tpu.memory_space<vmem>>
        %dma_wait3A_89 = arith.constant 0 : i32
        %dma_wait3A_90 = arith.constant 0 : i32
        %dma_wait3A_91 = tpu.memref_slice %arg13[%dma_wait3A_89, %dma_wait3A_90] : memref<10240x64xf32, #tpu.memory_space<vmem_shared>> -> memref<10240x64xf32, #tpu.memory_space<vmem_shared>>
        tpu.wait_indirect_dma semaphore(%run_scoped3A : memref<!tpu.dma_semaphore, #tpu.memory_space<semaphore_mem>>) src(%dma_wait3A_85 : memref<64x64xf32, #tpu.memory_space<vmem>>) dst(%dma_wait3A_91 : memref<10240x64xf32, #tpu.memory_space<vmem_shared>>)
        tpu.yield
      }) : () -> ()
      %add3A_59 = arith.constant 6 : i32
      %add3A_60 = arith.addi %add3A_45, %add3A_59 : i32
      %dma_start3A = arith.constant 0 : i32
      %dma_start3A_61 = arith.constant 0 : i32
      %dma_start3A_62 = tpu.memref_slice %arg11[%rem3A_46, %dma_start3A, %dma_start3A_61] : memref<6x64x64xf32, #tpu.memory_space<vmem>> -> memref<1x64x64xf32, #tpu.memory_space<vmem>>
      %dma_start3A_63 = tpu.memref_squeeze %dma_start3A_62 : memref<1x64x64xf32, #tpu.memory_space<vmem>> -> memref<64x64xf32, #tpu.memory_space<vmem>>
      %dma_start3A_64 = arith.constant 0 : i32
      %dma_start3A_65 = tpu.memref_slice %arg9[%add3A_60, %dma_start3A_64] : memref<160x64xi32, #tpu.memory_space<vmem>> -> memref<1x64xi32, #tpu.memory_space<vmem>>
      %dma_start3A_66 = tpu.memref_squeeze %dma_start3A_65 : memref<1x64xi32, #tpu.memory_space<vmem>> -> memref<64xi32, #tpu.memory_space<vmem>>
      %dma_start3A_67 = arith.constant 0 : i32
      %dma_start3A_68 = arith.constant 0 : i32
      %dma_start3A_69 = tpu.memref_slice %arg12[%dma_start3A_67, %dma_start3A_68] : memref<10240x64xf32, #tpu.memory_space<vmem_shared>> -> memref<10240x64xf32, #tpu.memory_space<vmem_shared>>
      %dma_start3A_70 = tpu.memref_slice %arg14[%rem3A_46] : memref<6x!tpu.dma_semaphore, #tpu.memory_space<semaphore_mem>> -> memref<1x!tpu.dma_semaphore, #tpu.memory_space<semaphore_mem>>
      %dma_start3A_71 = tpu.memref_squeeze %dma_start3A_70 : memref<1x!tpu.dma_semaphore, #tpu.memory_space<semaphore_mem>> -> memref<!tpu.dma_semaphore, #tpu.memory_space<semaphore_mem>>
      tpu.enqueue_indirect_dma source(%dma_start3A_69 : memref<10240x64xf32, #tpu.memory_space<vmem_shared>>) target(%dma_start3A_63 : memref<64x64xf32, #tpu.memory_space<vmem>>) offsets(%dma_start3A_66 : memref<64xi32, #tpu.memory_space<vmem>>) semaphore(%dma_start3A_71 : memref<!tpu.dma_semaphore, #tpu.memory_space<semaphore_mem>>)
    }
    %scan3A_33 = arith.constant 154 : i32
    %scan3A_34 = arith.constant 0 : i32
    %scan3A_35 = arith.constant 6 : i32
    %scan3A_36 = arith.addi %scan3A_34, %scan3A_35 : i32
    %scan3A_37 = arith.constant 1 : i32
    scf.for %scan3A_41 = %scan3A_34 to %scan3A_36 step %scan3A_37  : i32 {
      %mul3A_42 = arith.constant 1 : i32
      %mul3A_43 = arith.muli %scan3A_41, %mul3A_42 : i32
      %add3A_44 = arith.constant 154 : i32
      %add3A_45 = arith.addi %add3A_44, %mul3A_43 : i32
      %rem3A = arith.constant 6 : i32
      %rem3A_46 = arith.remsi %add3A_45, %rem3A : i32
      %dma_wait3A = arith.constant 0 : i32
      %dma_wait3A_47 = arith.constant 0 : i32
      %dma_wait3A_48 = arith.constant 0 : i32
      %dma_wait3A_49 = tpu.memref_slice %arg11[%rem3A_46, %dma_wait3A_47, %dma_wait3A_48] : memref<6x64x64xf32, #tpu.memory_space<vmem>> -> memref<1x64x64xf32, #tpu.memory_space<vmem>>
      %dma_wait3A_50 = tpu.memref_squeeze %dma_wait3A_49 : memref<1x64x64xf32, #tpu.memory_space<vmem>> -> memref<64x64xf32, #tpu.memory_space<vmem>>
      %dma_wait3A_51 = arith.constant 0 : i32
      %dma_wait3A_52 = tpu.memref_slice %arg9[%dma_wait3A, %dma_wait3A_51] : memref<160x64xi32, #tpu.memory_space<vmem>> -> memref<1x64xi32, #tpu.memory_space<vmem>>
      %dma_wait3A_53 = tpu.memref_squeeze %dma_wait3A_52 : memref<1x64xi32, #tpu.memory_space<vmem>> -> memref<64xi32, #tpu.memory_space<vmem>>
      %dma_wait3A_54 = arith.constant 0 : i32
      %dma_wait3A_55 = arith.constant 0 : i32
      %dma_wait3A_56 = tpu.memref_slice %arg12[%dma_wait3A_54, %dma_wait3A_55] : memref<10240x64xf32, #tpu.memory_space<vmem_shared>> -> memref<10240x64xf32, #tpu.memory_space<vmem_shared>>
      %dma_wait3A_57 = tpu.memref_slice %arg14[%rem3A_46] : memref<6x!tpu.dma_semaphore, #tpu.memory_space<semaphore_mem>> -> memref<1x!tpu.dma_semaphore, #tpu.memory_space<semaphore_mem>>
      %dma_wait3A_58 = tpu.memref_squeeze %dma_wait3A_57 : memref<1x!tpu.dma_semaphore, #tpu.memory_space<semaphore_mem>> -> memref<!tpu.dma_semaphore, #tpu.memory_space<semaphore_mem>>
      tpu.wait_indirect_dma semaphore(%dma_wait3A_58 : memref<!tpu.dma_semaphore, #tpu.memory_space<semaphore_mem>>) src(%dma_wait3A_56 : memref<10240x64xf32, #tpu.memory_space<vmem_shared>>) dst(%dma_wait3A_50 : memref<64x64xf32, #tpu.memory_space<vmem>>)
      "tpu.region"() ({
        %run_scoped3A = tpu.sem_alloc : memref<!tpu.dma_semaphore, #tpu.memory_space<semaphore_mem>>
        %dma_start3A = arith.constant 0 : i32
        %dma_start3A_59 = arith.constant 0 : i32
        %dma_start3A_60 = tpu.memref_slice %arg11[%rem3A_46, %dma_start3A, %dma_start3A_59] : memref<6x64x64xf32, #tpu.memory_space<vmem>> -> memref<1x64x64xf32, #tpu.memory_space<vmem>>
        %dma_start3A_61 = tpu.memref_squeeze %dma_start3A_60 : memref<1x64x64xf32, #tpu.memory_space<vmem>> -> memref<64x64xf32, #tpu.memory_space<vmem>>
        %dma_start3A_62 = arith.constant 0 : i32
        %dma_start3A_63 = tpu.memref_slice %arg10[%add3A_45, %dma_start3A_62] : memref<160x64xi32, #tpu.memory_space<vmem>> -> memref<1x64xi32, #tpu.memory_space<vmem>>
        %dma_start3A_64 = tpu.memref_squeeze %dma_start3A_63 : memref<1x64xi32, #tpu.memory_space<vmem>> -> memref<64xi32, #tpu.memory_space<vmem>>
        %dma_start3A_65 = arith.constant 0 : i32
        %dma_start3A_66 = arith.constant 0 : i32
        %dma_start3A_67 = tpu.memref_slice %arg13[%dma_start3A_65, %dma_start3A_66] : memref<10240x64xf32, #tpu.memory_space<vmem_shared>> -> memref<10240x64xf32, #tpu.memory_space<vmem_shared>>
        tpu.enqueue_indirect_dma source(%dma_start3A_61 : memref<64x64xf32, #tpu.memory_space<vmem>>) target(%dma_start3A_67 : memref<10240x64xf32, #tpu.memory_space<vmem_shared>>) offsets(%dma_start3A_64 : memref<64xi32, #tpu.memory_space<vmem>>) semaphore(%run_scoped3A : memref<!tpu.dma_semaphore, #tpu.memory_space<semaphore_mem>>) {add = true}
        %dma_wait3A_68 = arith.constant 0 : i32
        %dma_wait3A_69 = arith.constant 0 : i32
        %dma_wait3A_70 = tpu.memref_slice %arg11[%rem3A_46, %dma_wait3A_68, %dma_wait3A_69] : memref<6x64x64xf32, #tpu.memory_space<vmem>> -> memref<1x64x64xf32, #tpu.memory_space<vmem>>
        %dma_wait3A_71 = tpu.memref_squeeze %dma_wait3A_70 : memref<1x64x64xf32, #tpu.memory_space<vmem>> -> memref<64x64xf32, #tpu.memory_space<vmem>>
        %dma_wait3A_72 = arith.constant 0 : i32
        %dma_wait3A_73 = tpu.memref_slice %arg10[%add3A_45, %dma_wait3A_72] : memref<160x64xi32, #tpu.memory_space<vmem>> -> memref<1x64xi32, #tpu.memory_space<vmem>>
        %dma_wait3A_74 = tpu.memref_squeeze %dma_wait3A_73 : memref<1x64xi32, #tpu.memory_space<vmem>> -> memref<64xi32, #tpu.memory_space<vmem>>
        %dma_wait3A_75 = arith.constant 0 : i32
        %dma_wait3A_76 = arith.constant 0 : i32
        %dma_wait3A_77 = tpu.memref_slice %arg13[%dma_wait3A_75, %dma_wait3A_76] : memref<10240x64xf32, #tpu.memory_space<vmem_shared>> -> memref<10240x64xf32, #tpu.memory_space<vmem_shared>>
        tpu.wait_indirect_dma semaphore(%run_scoped3A : memref<!tpu.dma_semaphore, #tpu.memory_space<semaphore_mem>>) src(%dma_wait3A_71 : memref<64x64xf32, #tpu.memory_space<vmem>>) dst(%dma_wait3A_77 : memref<10240x64xf32, #tpu.memory_space<vmem_shared>>)
        tpu.yield
      }) : () -> ()
    }
    %scan3A_38 = arith.constant 6 : i32
    %barrier3A_39 = arith.constant 0 : index
    tpu.barrier barrier_id(%barrier3A_39)
    "tpu.region"() ({
      %run_scoped3A = tpu.sem_alloc : memref<!tpu.dma_semaphore, #tpu.memory_space<semaphore_mem>>
      %dma_start3A = arith.constant 0 : i32
      %dma_start3A_41 = tpu.memref_slice %arg8[%arg0, %mul3A_2, %dma_start3A] : memref<2x10240x64xf32, #tpu.memory_space<hbm>> -> memref<1x640x64xf32, #tpu.memory_space<hbm>>
      %dma_start3A_42 = tpu.memref_squeeze %dma_start3A_41 : memref<1x640x64xf32, #tpu.memory_space<hbm>> -> memref<640x64xf32, #tpu.memory_space<hbm>>
      %dma_start3A_43 = arith.constant 0 : i32
      %dma_start3A_44 = tpu.memref_slice %arg13[%mul3A_2, %dma_start3A_43] : memref<10240x64xf32, #tpu.memory_space<vmem_shared>> -> memref<640x64xf32, #tpu.memory_space<vmem_shared>>
      tpu.enqueue_dma source(%dma_start3A_44 : memref<640x64xf32, #tpu.memory_space<vmem_shared>>) target(%dma_start3A_42 : memref<640x64xf32, #tpu.memory_space<hbm>>) target_semaphore(%run_scoped3A : memref<!tpu.dma_semaphore, #tpu.memory_space<semaphore_mem>>)
      %dma_wait3A = arith.constant 0 : i32
      %dma_wait3A_45 = tpu.memref_slice %arg8[%arg0, %mul3A_2, %dma_wait3A] : memref<2x10240x64xf32, #tpu.memory_space<hbm>> -> memref<1x640x64xf32, #tpu.memory_space<hbm>>
      %dma_wait3A_46 = tpu.memref_squeeze %dma_wait3A_45 : memref<1x640x64xf32, #tpu.memory_space<hbm>> -> memref<640x64xf32, #tpu.memory_space<hbm>>
      %dma_wait3A_47 = arith.constant 0 : i32
      %dma_wait3A_48 = tpu.memref_slice %arg13[%mul3A_2, %dma_wait3A_47] : memref<10240x64xf32, #tpu.memory_space<vmem_shared>> -> memref<640x64xf32, #tpu.memory_space<vmem_shared>>
      tpu.wait_dma2 semaphore(%run_scoped3A : memref<!tpu.dma_semaphore, #tpu.memory_space<semaphore_mem>>) src(%dma_wait3A_48 : memref<640x64xf32, #tpu.memory_space<vmem_shared>>) dst(%dma_wait3A_46 : memref<640x64xf32, #tpu.memory_space<hbm>>)
      tpu.yield
    }) : () -> ()
    %barrier3A_40 = arith.constant 0 : index
    tpu.barrier barrier_id(%barrier3A_40)
    return
  }
}

module attributes {stable_mosaic.version = 14 : i64} {
  func.func @_scale_kernel(%arg0: i32, %arg1: memref<2x2560x8xf32, #tpu.memory_space<vmem>>, %arg2: memref<2560x128xf32, #tpu.memory_space<vmem>>, %arg3: memref<2560x64xf32, #tpu.memory_space<vmem>>, %arg4: memref<2560x64xf32, #tpu.memory_space<vmem>>) attributes {dimension_semantics = [#tpu.dimension_semantics<arbitrary>], iteration_bounds = array<i64: 4>, scalar_prefetch = 0 : i64, scratch_operands = 0 : i64, tpu.core_type = #tpu.core_type<tc>, window_params = [{transform_indices = @transform_0, window_bounds = array<i64: 2, 2560, 8>}, {transform_indices = @transform_1, window_bounds = array<i64: 2560, 128>}, {transform_indices = @transform_2, window_bounds = array<i64: 2560, 64>}, {transform_indices = @transform_3, window_bounds = array<i64: 2560, 64>}]} {
    %get3A = arith.constant 0 : index
    %get3A_0 = arith.constant 0 : index
    %get3A_1 = vector.load %arg2[%get3A, %get3A_0] : memref<2560x128xf32, #tpu.memory_space<vmem>>, vector<2560x128xf32>
    %get3A_2 = arith.constant 0 : index
    %get3A_3 = arith.constant 0 : index
    %get3A_4 = arith.constant 0 : index
    %get3A_5 = vector.load %arg1[%get3A_2, %get3A_3, %get3A_4] : memref<2x2560x8xf32, #tpu.memory_space<vmem>>, vector<1x2560x1xf32>
    %get3A_6 = vector.shape_cast %get3A_5 : vector<1x2560x1xf32> to vector<2560x1xf32>
    %get3A_7 = arith.constant 1 : index
    %get3A_8 = arith.constant 0 : index
    %get3A_9 = arith.constant 0 : index
    %get3A_10 = vector.load %arg1[%get3A_7, %get3A_8, %get3A_9] : memref<2x2560x8xf32, #tpu.memory_space<vmem>>, vector<1x2560x1xf32>
    %get3A_11 = vector.shape_cast %get3A_10 : vector<1x2560x1xf32> to vector<2560x1xf32>
    %add3A = arith.addf %get3A_6, %get3A_11 : vector<2560x1xf32>
    %add3A_12 = arith.constant 1.000000e+00 : f32
    %add3A_13 = vector.broadcast %add3A_12 : f32 to vector<2560x1xf32>
    %add3A_14 = arith.addf %add3A, %add3A_13 : vector<2560x1xf32>
    %max3A = arith.constant 9.99999996E-13 : f32
    %max3A_15 = vector.broadcast %max3A : f32 to vector<2560x1xf32>
    %max3A_16 = arith.maximumf %add3A_14, %max3A_15 : vector<2560x1xf32>
    %rsqrt3A = math.rsqrt %max3A_16 : vector<2560x1xf32>
    %mul3A = vector.broadcast %rsqrt3A : vector<2560x1xf32> to vector<2560x128xf32>
    %mul3A_17 = arith.mulf %get3A_1, %mul3A : vector<2560x128xf32>
    %slice3A = vector.extract_strided_slice %mul3A_17 {offsets = [0, 0], sizes = [2560, 64], strides = [1, 1]} : vector<2560x128xf32> to vector<2560x64xf32>
    %swap3A = arith.constant 0 : index
    %swap3A_18 = arith.constant 0 : index
    %swap3A_19 = vector.load %arg3[%swap3A, %swap3A_18] : memref<2560x64xf32, #tpu.memory_space<vmem>>, vector<2560x64xf32>
    tpu.vector_store %arg3[%swap3A, %swap3A_18], %slice3A {strides = array<i32>} : memref<2560x64xf32, #tpu.memory_space<vmem>>, vector<2560x64xf32>,
    %slice3A_20 = vector.extract_strided_slice %mul3A_17 {offsets = [0, 64], sizes = [2560, 64], strides = [1, 1]} : vector<2560x128xf32> to vector<2560x64xf32>
    %swap3A_21 = arith.constant 0 : index
    %swap3A_22 = arith.constant 0 : index
    %swap3A_23 = vector.load %arg4[%swap3A_21, %swap3A_22] : memref<2560x64xf32, #tpu.memory_space<vmem>>, vector<2560x64xf32>
    tpu.vector_store %arg4[%swap3A_21, %swap3A_22], %slice3A_20 {strides = array<i32>} : memref<2560x64xf32, #tpu.memory_space<vmem>>, vector<2560x64xf32>,
    return
  }
  func.func @transform_0(%arg0: i32) -> (i32, i32, i32) {
    %c0_i32 = arith.constant 0 : i32
    %c0_i32_0 = arith.constant 0 : i32
    %c0_i32_1 = arith.constant 0 : i32
    return %c0_i32, %arg0, %c0_i32_0 : i32, i32, i32
  }
  func.func @transform_1(%arg0: i32) -> (i32, i32) {
    %c0_i32 = arith.constant 0 : i32
    %c0_i32_0 = arith.constant 0 : i32
    return %arg0, %c0_i32 : i32, i32
  }
  func.func @transform_2(%arg0: i32) -> (i32, i32) {
    %c0_i32 = arith.constant 0 : i32
    %c0_i32_0 = arith.constant 0 : i32
    return %arg0, %c0_i32 : i32, i32
  }
  func.func @transform_3(%arg0: i32) -> (i32, i32) {
    %c0_i32 = arith.constant 0 : i32
    %c0_i32_0 = arith.constant 0 : i32
    return %arg0, %c0_i32 : i32, i32
  }
}

module attributes {stable_mosaic.version = 14 : i64} {
  func.func @_mm_kernel(%arg0: i32, %arg1: memref<2x2560x8xf32, #tpu.memory_space<vmem>>, %arg2: memref<2x2560x64xf32, #tpu.memory_space<vmem>>, %arg3: memref<2x2560x64xf32, #tpu.memory_space<vmem>>, %arg4: memref<2560x64xf32, #tpu.memory_space<vmem>>, %arg5: memref<2560x64xf32, #tpu.memory_space<vmem>>, %arg6: memref<128x1024xf32, #tpu.memory_space<vmem>>, %arg7: memref<1x1024xf32, #tpu.memory_space<vmem>>, %arg8: memref<1024x48xf32, #tpu.memory_space<vmem>>, %arg9: memref<2560x48xf32, #tpu.memory_space<vmem>>) attributes {dimension_semantics = [#tpu.dimension_semantics<arbitrary>], iteration_bounds = array<i64: 4>, scalar_prefetch = 0 : i64, scratch_operands = 0 : i64, tpu.core_type = #tpu.core_type<tc>, window_params = [{transform_indices = @transform_0, window_bounds = array<i64: 2, 2560, 8>}, {transform_indices = @transform_1, window_bounds = array<i64: 2, 2560, 64>}, {transform_indices = @transform_2, window_bounds = array<i64: 2, 2560, 64>}, {transform_indices = @transform_3, window_bounds = array<i64: 2560, 64>}, {transform_indices = @transform_4, window_bounds = array<i64: 2560, 64>}, {pipeline_mode = #tpu.pipeline_mode<synchronous>, transform_indices = @transform_5, window_bounds = array<i64: 128, 1024>}, {pipeline_mode = #tpu.pipeline_mode<synchronous>, transform_indices = @transform_6, window_bounds = array<i64: 1, 1024>}, {pipeline_mode = #tpu.pipeline_mode<synchronous>, transform_indices = @transform_7, window_bounds = array<i64: 1024, 48>}, {transform_indices = @transform_8, window_bounds = array<i64: 2560, 48>}]} {
    %get3A = arith.constant 0 : index
    %get3A_0 = arith.constant 0 : index
    %get3A_1 = arith.constant 0 : index
    %get3A_2 = vector.load %arg1[%get3A, %get3A_0, %get3A_1] : memref<2x2560x8xf32, #tpu.memory_space<vmem>>, vector<1x2560x1xf32>
    %get3A_3 = vector.shape_cast %get3A_2 : vector<1x2560x1xf32> to vector<2560x1xf32>
    %get3A_4 = arith.constant 1 : index
    %get3A_5 = arith.constant 0 : index
    %get3A_6 = arith.constant 0 : index
    %get3A_7 = vector.load %arg1[%get3A_4, %get3A_5, %get3A_6] : memref<2x2560x8xf32, #tpu.memory_space<vmem>>, vector<1x2560x1xf32>
    %get3A_8 = vector.shape_cast %get3A_7 : vector<1x2560x1xf32> to vector<2560x1xf32>
    %add3A = arith.addf %get3A_3, %get3A_8 : vector<2560x1xf32>
    %add3A_9 = arith.constant 1.000000e+00 : f32
    %add3A_10 = vector.broadcast %add3A_9 : f32 to vector<2560x1xf32>
    %add3A_11 = arith.addf %add3A, %add3A_10 : vector<2560x1xf32>
    %max3A = arith.constant 9.99999996E-13 : f32
    %max3A_12 = vector.broadcast %max3A : f32 to vector<2560x1xf32>
    %max3A_13 = arith.maximumf %add3A_11, %max3A_12 : vector<2560x1xf32>
    %rsqrt3A = math.rsqrt %max3A_13 : vector<2560x1xf32>
    %get3A_14 = arith.constant 0 : index
    %get3A_15 = arith.constant 0 : index
    %get3A_16 = arith.constant 0 : index
    %get3A_17 = vector.load %arg2[%get3A_14, %get3A_15, %get3A_16] : memref<2x2560x64xf32, #tpu.memory_space<vmem>>, vector<1x2560x64xf32>
    %get3A_18 = vector.shape_cast %get3A_17 : vector<1x2560x64xf32> to vector<2560x64xf32>
    %get3A_19 = arith.constant 1 : index
    %get3A_20 = arith.constant 0 : index
    %get3A_21 = arith.constant 0 : index
    %get3A_22 = vector.load %arg2[%get3A_19, %get3A_20, %get3A_21] : memref<2x2560x64xf32, #tpu.memory_space<vmem>>, vector<1x2560x64xf32>
    %get3A_23 = vector.shape_cast %get3A_22 : vector<1x2560x64xf32> to vector<2560x64xf32>
    %add3A_24 = arith.addf %get3A_18, %get3A_23 : vector<2560x64xf32>
    %get3A_25 = arith.constant 0 : index
    %get3A_26 = arith.constant 0 : index
    %get3A_27 = vector.load %arg4[%get3A_25, %get3A_26] : memref<2560x64xf32, #tpu.memory_space<vmem>>, vector<2560x64xf32>
    %add3A_28 = arith.addf %add3A_24, %get3A_27 : vector<2560x64xf32>
    %mul3A = vector.broadcast %rsqrt3A : vector<2560x1xf32> to vector<2560x64xf32>
    %mul3A_29 = arith.mulf %add3A_28, %mul3A : vector<2560x64xf32>
    %get3A_30 = arith.constant 0 : index
    %get3A_31 = arith.constant 0 : index
    %get3A_32 = arith.constant 0 : index
    %get3A_33 = vector.load %arg3[%get3A_30, %get3A_31, %get3A_32] : memref<2x2560x64xf32, #tpu.memory_space<vmem>>, vector<1x2560x64xf32>
    %get3A_34 = vector.shape_cast %get3A_33 : vector<1x2560x64xf32> to vector<2560x64xf32>
    %get3A_35 = arith.constant 1 : index
    %get3A_36 = arith.constant 0 : index
    %get3A_37 = arith.constant 0 : index
    %get3A_38 = vector.load %arg3[%get3A_35, %get3A_36, %get3A_37] : memref<2x2560x64xf32, #tpu.memory_space<vmem>>, vector<1x2560x64xf32>
    %get3A_39 = vector.shape_cast %get3A_38 : vector<1x2560x64xf32> to vector<2560x64xf32>
    %add3A_40 = arith.addf %get3A_34, %get3A_39 : vector<2560x64xf32>
    %get3A_41 = arith.constant 0 : index
    %get3A_42 = arith.constant 0 : index
    %get3A_43 = vector.load %arg5[%get3A_41, %get3A_42] : memref<2560x64xf32, #tpu.memory_space<vmem>>, vector<2560x64xf32>
    %add3A_44 = arith.addf %add3A_40, %get3A_43 : vector<2560x64xf32>
    %mul3A_45 = vector.broadcast %rsqrt3A : vector<2560x1xf32> to vector<2560x64xf32>
    %mul3A_46 = arith.mulf %add3A_44, %mul3A_45 : vector<2560x64xf32>
    %convert_element_type3A = arith.truncf %mul3A_29 : vector<2560x64xf32> to vector<2560x64xbf16>
    %get3A_47 = arith.constant 0 : index
    %get3A_48 = arith.constant 0 : index
    %get3A_49 = vector.load %arg6[%get3A_47, %get3A_48] : memref<128x1024xf32, #tpu.memory_space<vmem>>, vector<64x1024xf32>
    %convert_element_type3A_50 = arith.truncf %get3A_49 : vector<64x1024xf32> to vector<64x1024xbf16>
    %dot_general3A = arith.constant dense<0.000000e+00> : vector<2560x1024xf32>
    %dot_general3A_51 = tpu.matmul %convert_element_type3A, %convert_element_type3A_50, %dot_general3A {dimension_numbers = #tpu.dot_dimension_numbers<[1], [0], [0], [1], [0, 0, 1, 1], [], []>, transpose_lhs_hint = false} : vector<2560x64xbf16>, vector<64x1024xbf16>, vector<2560x1024xf32> -> vector<2560x1024xf32>
    %convert_element_type3A_52 = arith.truncf %mul3A_46 : vector<2560x64xf32> to vector<2560x64xbf16>
    %get3A_53 = arith.constant 64 : index
    %get3A_54 = arith.constant 0 : index
    %get3A_55 = vector.load %arg6[%get3A_53, %get3A_54] : memref<128x1024xf32, #tpu.memory_space<vmem>>, vector<64x1024xf32>
    %convert_element_type3A_56 = arith.truncf %get3A_55 : vector<64x1024xf32> to vector<64x1024xbf16>
    %dot_general3A_57 = arith.constant dense<0.000000e+00> : vector<2560x1024xf32>
    %dot_general3A_58 = tpu.matmul %convert_element_type3A_52, %convert_element_type3A_56, %dot_general3A_57 {dimension_numbers = #tpu.dot_dimension_numbers<[1], [0], [0], [1], [0, 0, 1, 1], [], []>, transpose_lhs_hint = false} : vector<2560x64xbf16>, vector<64x1024xbf16>, vector<2560x1024xf32> -> vector<2560x1024xf32>
    %add3A_59 = arith.addf %dot_general3A_51, %dot_general3A_58 : vector<2560x1024xf32>
    %get3A_60 = arith.constant 0 : index
    %get3A_61 = arith.constant 0 : index
    %get3A_62 = vector.load %arg7[%get3A_60, %get3A_61] : memref<1x1024xf32, #tpu.memory_space<vmem>>, vector<1x1024xf32>
    %add3A_63 = vector.broadcast %get3A_62 : vector<1x1024xf32> to vector<2560x1024xf32>
    %add3A_64 = arith.addf %add3A_59, %add3A_63 : vector<2560x1024xf32>
    %max3A_65 = arith.constant 0.000000e+00 : f32
    %max3A_66 = vector.broadcast %max3A_65 : f32 to vector<2560x1024xf32>
    %max3A_67 = arith.maximumf %add3A_64, %max3A_66 : vector<2560x1024xf32>
    %convert_element_type3A_68 = arith.truncf %max3A_67 : vector<2560x1024xf32> to vector<2560x1024xbf16>
    %get3A_69 = arith.constant 0 : index
    %get3A_70 = arith.constant 0 : index
    %get3A_71 = vector.load %arg8[%get3A_69, %get3A_70] : memref<1024x48xf32, #tpu.memory_space<vmem>>, vector<1024x48xf32>
    %convert_element_type3A_72 = arith.truncf %get3A_71 : vector<1024x48xf32> to vector<1024x48xbf16>
    %dot_general3A_73 = arith.constant dense<0.000000e+00> : vector<2560x48xf32>
    %dot_general3A_74 = tpu.matmul %convert_element_type3A_68, %convert_element_type3A_72, %dot_general3A_73 {dimension_numbers = #tpu.dot_dimension_numbers<[1], [0], [0], [1], [0, 0, 1, 1], [], []>, transpose_lhs_hint = false} : vector<2560x1024xbf16>, vector<1024x48xbf16>, vector<2560x48xf32> -> vector<2560x48xf32>
    %mul3A_75 = vector.broadcast %rsqrt3A : vector<2560x1xf32> to vector<2560x48xf32>
    %mul3A_76 = arith.mulf %dot_general3A_74, %mul3A_75 : vector<2560x48xf32>
    %swap3A = arith.constant 0 : index
    %swap3A_77 = arith.constant 0 : index
    %swap3A_78 = vector.load %arg9[%swap3A, %swap3A_77] : memref<2560x48xf32, #tpu.memory_space<vmem>>, vector<2560x48xf32>
    tpu.vector_store %arg9[%swap3A, %swap3A_77], %mul3A_76 {strides = array<i32>} : memref<2560x48xf32, #tpu.memory_space<vmem>>, vector<2560x48xf32>,
    return
  }
  func.func @transform_0(%arg0: i32) -> (i32, i32, i32) {
    %c0_i32 = arith.constant 0 : i32
    %c0_i32_0 = arith.constant 0 : i32
    %c0_i32_1 = arith.constant 0 : i32
    return %c0_i32, %arg0, %c0_i32_0 : i32, i32, i32
  }
  func.func @transform_1(%arg0: i32) -> (i32, i32, i32) {
    %c0_i32 = arith.constant 0 : i32
    %c0_i32_0 = arith.constant 0 : i32
    %c0_i32_1 = arith.constant 0 : i32
    return %c0_i32, %arg0, %c0_i32_0 : i32, i32, i32
  }
  func.func @transform_2(%arg0: i32) -> (i32, i32, i32) {
    %c0_i32 = arith.constant 0 : i32
    %c0_i32_0 = arith.constant 0 : i32
    %c0_i32_1 = arith.constant 0 : i32
    return %c0_i32, %arg0, %c0_i32_0 : i32, i32, i32
  }
  func.func @transform_3(%arg0: i32) -> (i32, i32) {
    %c0_i32 = arith.constant 0 : i32
    %c0_i32_0 = arith.constant 0 : i32
    return %arg0, %c0_i32 : i32, i32
  }
  func.func @transform_4(%arg0: i32) -> (i32, i32) {
    %c0_i32 = arith.constant 0 : i32
    %c0_i32_0 = arith.constant 0 : i32
    return %arg0, %c0_i32 : i32, i32
  }
  func.func @transform_5(%arg0: i32) -> (i32, i32) {
    %c0_i32 = arith.constant 0 : i32
    %c0_i32_0 = arith.constant 0 : i32
    %c0_i32_1 = arith.constant 0 : i32
    return %c0_i32, %c0_i32_0 : i32, i32
  }
  func.func @transform_6(%arg0: i32) -> (i32, i32) {
    %c0_i32 = arith.constant 0 : i32
    %c0_i32_0 = arith.constant 0 : i32
    %c0_i32_1 = arith.constant 0 : i32
    return %c0_i32, %c0_i32_0 : i32, i32
  }
  func.func @transform_7(%arg0: i32) -> (i32, i32) {
    %c0_i32 = arith.constant 0 : i32
    %c0_i32_0 = arith.constant 0 : i32
    %c0_i32_1 = arith.constant 0 : i32
    return %c0_i32, %c0_i32_0 : i32, i32
  }
  func.func @transform_8(%arg0: i32) -> (i32, i32) {
    %c0_i32 = arith.constant 0 : i32
    %c0_i32_0 = arith.constant 0 : i32
    return %arg0, %c0_i32 : i32, i32
  }
}

module attributes {stable_mosaic.version = 14 : i64} {
  func.func @_final_kernel(%arg0: i32, %arg1: memref<2x2000x8xf32, #tpu.memory_space<vmem>>, %arg2: memref<2x2000x48xf32, #tpu.memory_space<vmem>>, %arg3: memref<2000x48xf32, #tpu.memory_space<vmem>>, %arg4: memref<1x40xf32, #tpu.memory_space<vmem>>, %arg5: memref<2000x40xf32, #tpu.memory_space<vmem>>) attributes {dimension_semantics = [#tpu.dimension_semantics<arbitrary>], iteration_bounds = array<i64: 5>, scalar_prefetch = 0 : i64, scratch_operands = 0 : i64, tpu.core_type = #tpu.core_type<tc>, window_params = [{transform_indices = @transform_0, window_bounds = array<i64: 2, 2000, 8>}, {transform_indices = @transform_1, window_bounds = array<i64: 2, 2000, 48>}, {transform_indices = @transform_2, window_bounds = array<i64: 2000, 48>}, {pipeline_mode = #tpu.pipeline_mode<synchronous>, transform_indices = @transform_3, window_bounds = array<i64: 1, 40>}, {transform_indices = @transform_4, window_bounds = array<i64: 2000, 40>}]} {
    %get3A = arith.constant 0 : index
    %get3A_0 = arith.constant 0 : index
    %get3A_1 = arith.constant 0 : index
    %get3A_2 = vector.load %arg1[%get3A, %get3A_0, %get3A_1] : memref<2x2000x8xf32, #tpu.memory_space<vmem>>, vector<1x2000x1xf32>
    %get3A_3 = vector.shape_cast %get3A_2 : vector<1x2000x1xf32> to vector<2000x1xf32>
    %get3A_4 = arith.constant 1 : index
    %get3A_5 = arith.constant 0 : index
    %get3A_6 = arith.constant 0 : index
    %get3A_7 = vector.load %arg1[%get3A_4, %get3A_5, %get3A_6] : memref<2x2000x8xf32, #tpu.memory_space<vmem>>, vector<1x2000x1xf32>
    %get3A_8 = vector.shape_cast %get3A_7 : vector<1x2000x1xf32> to vector<2000x1xf32>
    %add3A = arith.addf %get3A_3, %get3A_8 : vector<2000x1xf32>
    %add3A_9 = arith.constant 1.000000e+00 : f32
    %add3A_10 = vector.broadcast %add3A_9 : f32 to vector<2000x1xf32>
    %add3A_11 = arith.addf %add3A, %add3A_10 : vector<2000x1xf32>
    %max3A = arith.constant 9.99999996E-13 : f32
    %max3A_12 = vector.broadcast %max3A : f32 to vector<2000x1xf32>
    %max3A_13 = arith.maximumf %add3A_11, %max3A_12 : vector<2000x1xf32>
    %rsqrt3A = math.rsqrt %max3A_13 : vector<2000x1xf32>
    %get3A_14 = arith.constant 0 : index
    %get3A_15 = arith.constant 0 : index
    %get3A_16 = arith.constant 0 : index
    %get3A_17 = vector.load %arg2[%get3A_14, %get3A_15, %get3A_16] : memref<2x2000x48xf32, #tpu.memory_space<vmem>>, vector<1x2000x48xf32>
    %get3A_18 = vector.shape_cast %get3A_17 : vector<1x2000x48xf32> to vector<2000x48xf32>
    %get3A_19 = arith.constant 1 : index
    %get3A_20 = arith.constant 0 : index
    %get3A_21 = arith.constant 0 : index
    %get3A_22 = vector.load %arg2[%get3A_19, %get3A_20, %get3A_21] : memref<2x2000x48xf32, #tpu.memory_space<vmem>>, vector<1x2000x48xf32>
    %get3A_23 = vector.shape_cast %get3A_22 : vector<1x2000x48xf32> to vector<2000x48xf32>
    %add3A_24 = arith.addf %get3A_18, %get3A_23 : vector<2000x48xf32>
    %get3A_25 = arith.constant 0 : index
    %get3A_26 = arith.constant 0 : index
    %get3A_27 = vector.load %arg3[%get3A_25, %get3A_26] : memref<2000x48xf32, #tpu.memory_space<vmem>>, vector<2000x48xf32>
    %add3A_28 = arith.addf %add3A_24, %get3A_27 : vector<2000x48xf32>
    %mul3A = vector.broadcast %rsqrt3A : vector<2000x1xf32> to vector<2000x48xf32>
    %mul3A_29 = arith.mulf %add3A_28, %mul3A : vector<2000x48xf32>
    %slice3A = vector.extract_strided_slice %mul3A_29 {offsets = [0, 0], sizes = [2000, 40], strides = [1, 1]} : vector<2000x48xf32> to vector<2000x40xf32>
    %get3A_30 = arith.constant 0 : index
    %get3A_31 = arith.constant 0 : index
    %get3A_32 = vector.load %arg4[%get3A_30, %get3A_31] : memref<1x40xf32, #tpu.memory_space<vmem>>, vector<1x40xf32>
    %add3A_33 = vector.broadcast %get3A_32 : vector<1x40xf32> to vector<2000x40xf32>
    %add3A_34 = arith.addf %slice3A, %add3A_33 : vector<2000x40xf32>
    %reduce_max3A = arith.constant dense<0xFF800000> : vector<2000xf32>
    %reduce_max3A_35 = vector.multi_reduction <maximumf>, %add3A_34, %reduce_max3A [1] : vector<2000x40xf32> to vector<2000xf32>
    %broadcast_in_dim3A = vector.shape_cast %reduce_max3A_35 : vector<2000xf32> to vector<2000x1xf32>
    %sub3A = vector.broadcast %broadcast_in_dim3A : vector<2000x1xf32> to vector<2000x40xf32>
    %sub3A_36 = arith.subf %add3A_34, %sub3A : vector<2000x40xf32>
    %exp3A = math.exp %sub3A_36 : vector<2000x40xf32>
    %reduce_sum3A = arith.constant dense<0.000000e+00> : vector<2000xf32>
    %reduce_sum3A_37 = vector.multi_reduction <add>, %exp3A, %reduce_sum3A [1] : vector<2000x40xf32> to vector<2000xf32>
    %broadcast_in_dim3A_38 = vector.shape_cast %reduce_sum3A_37 : vector<2000xf32> to vector<2000x1xf32>
    %log3A = math.log %broadcast_in_dim3A_38 : vector<2000x1xf32>
    %add3A_39 = arith.addf %broadcast_in_dim3A, %log3A : vector<2000x1xf32>
    %sub3A_40 = vector.broadcast %add3A_39 : vector<2000x1xf32> to vector<2000x40xf32>
    %sub3A_41 = arith.subf %add3A_34, %sub3A_40 : vector<2000x40xf32>
    %swap3A = arith.constant 0 : index
    %swap3A_42 = arith.constant 0 : index
    %swap3A_43 = vector.load %arg5[%swap3A, %swap3A_42] : memref<2000x40xf32, #tpu.memory_space<vmem>>, vector<2000x40xf32>
    tpu.vector_store %arg5[%swap3A, %swap3A_42], %sub3A_41 {strides = array<i32>} : memref<2000x40xf32, #tpu.memory_space<vmem>>, vector<2000x40xf32>,
    return
  }
  func.func @transform_0(%arg0: i32) -> (i32, i32, i32) {
    %c0_i32 = arith.constant 0 : i32
    %c0_i32_0 = arith.constant 0 : i32
    %c0_i32_1 = arith.constant 0 : i32
    return %c0_i32, %arg0, %c0_i32_0 : i32, i32, i32
  }
  func.func @transform_1(%arg0: i32) -> (i32, i32, i32) {
    %c0_i32 = arith.constant 0 : i32
    %c0_i32_0 = arith.constant 0 : i32
    %c0_i32_1 = arith.constant 0 : i32
    return %c0_i32, %arg0, %c0_i32_0 : i32, i32, i32
  }
  func.func @transform_2(%arg0: i32) -> (i32, i32) {
    %c0_i32 = arith.constant 0 : i32
    %c0_i32_0 = arith.constant 0 : i32
    return %arg0, %c0_i32 : i32, i32
  }
  func.func @transform_3(%arg0: i32) -> (i32, i32) {
    %c0_i32 = arith.constant 0 : i32
    %c0_i32_0 = arith.constant 0 : i32
    %c0_i32_1 = arith.constant 0 : i32
    return %c0_i32, %c0_i32_0 : i32, i32
  }
  func.func @transform_4(%arg0: i32) -> (i32, i32) {
    %c0_i32 = arith.constant 0 : i32
    %c0_i32_0 = arith.constant 0 : i32
    return %arg0, %c0_i32 : i32, i32
  }
}

</mosaic_0001>

<sc_bundles>
// kernel: kernel.11.cloned.1.call-start
scs
__scs_entry_jumppad:
0x0: {  	(pc) =	sbr.rel $0x88, $3  }
0x1: {  	(tag) =	ssettag $0x0;
	lr =	simm.s32 $0x1  }
0x2: {  	[smem:$0x3F9B] =	sst lr;
	_ =	strace $0xD0000000  }
0x3: {  	_ = 	snop  }
0x4: {  	_ = 	snop  }
0x5: {  	_ = 	snop  }
0x6: {  	_ = 	snop  }
0x7: {  	_ = 	snop  }
__scs_overlays_trampoline_lowered:
0x8: {  	[smem:$0x3FAA] =	sst s0  }
0x9: {  	[smem:$0x3FAB] =	sst s1  }
0xa: {  	[smem:$0x3FAC] =	sst s2  }
0xb: {  	[smem:$0x3FAD] =	sst s3  }
0xc: {  	[smem:$0x3FAE] =	sst s4  }
0xd: {  	[smem:$0x3FAF] =	sst s5  }
0xe: {  	[smem:$0x3FB0] =	sst s6  }
0xf: {  	[smem:$0x3FB1] =	sst s7  }
0x10: {  	[smem:$0x3FB2] =	sst s8  }
0x11: {  	[smem:$0x3FB3] =	sst s9;
	s0 =	simm.s32 @!p0 $0x0  }
0x12: {  	s1 =	sld [smem:$0x3F99];
	s0 =	simm.s32 @p0 $0x1  }
0x13: {  	[smem:$0x3FB4] =	sst s0;
	s0 =	simm.s32 @!p1 $0x0  }
0x14: {  	s2 =	sld [smem:$0x3F98];
	s0 =	simm.s32 @p1 $0x1  }
0x15: {  	[smem:$0x3FB5] =	sst s0;
	s0 =	simm.s32 @!p2 $0x0  }
0x16: {  	s3 =	sld [smem:$0x3FDB];
	s0 =	simm.s32 @p2 $0x1  }
0x17: {  	s4 =	simm.s32 $0x1BF5;
	[smem:$0x3FB7] =	sst s0  }
0x18: {  	s0 =	sld [smem:$0x3F9A];
	_ =	swait.ge [sflag:s4], $0x0  }
0x19: {  	s7 =	sld [smem:$0x3F9B]  }
0x1a: {  	s8 =	sadd.s32 $0xFFFFE003, lr  }
0x1b: {  	s9 =	sadd.s32 $0xFFFFFEF7, lr;
	s5 =	simm.s32 $0xFFFFFFFF;
	p2 =	slt.u32 s8, $0xFFFFF086  }
0x1c: {  	p1 =	slt.u32 s9, $0xF7A;
	s5 =	simm.s32 @!p2 $0x0  }
0x1d: {  	s5 =	simm.s32 @p1 $0x1;
	p0 =	seq.s32 s7, s2  }
0x1e: {  	s7 =	smul.u32 @!p0 $0xF7A, s2;
	p2 =	seq.s32 @!p0 s5, $0x0  }
0x1f: {  	s9 =	smul.u32 $0xF7A, s1;
	s8 =	simm.s32 @!p0 $0x1BF5;
	p2 =	por !p2, p0  }
0x20: {  	[sflag:s8] =	ssyncset.s32 @!p0 $0xFFFFF086;
	s6 =	sadd.s32 @!p0 s3, s7;
	s7 =	simm.s32 @!p0 $0x108  }
0x21: {  	s3 =	sadd.s32 s3, s9;
	s6 =	sadd.s32 @!p0 $0x88, s6;
	s7 =	simm.s32 @p2 $0x1082  }
0x22: {  	[simem:s7], [sflag:s8] =	dma.local @!p0 [hbm:s6], $0xF7A  }
0x23: {  	s9 =	sor.u32 $0xD0000000, s2;
	s6 =	simm.s32 $0x108;
	_ =	swait.ge @!p0 [sflag:s8], $0x0  }
0x24: {  	s3 =	sadd.s32 $0x88, s3;
	s6 =	simm.s32 @!p1 $0x1082;
	[sflag:s4] =	ssyncset.s32 $0xFFFFF086  }
0x25: {  	[simem:s6], [sflag:s4] =	dma.local [hbm:s3], $0xF7A  }
0x26: {  	[smem:$0x3F9B] =	sst s1;
	(tag) =	ssettag s2;
	_ =	strace s9  }
0x27: {  	s1 =	sld [smem:$0x3FAB]  }
0x28: {  	s2 =	sld [smem:$0x3FAC]  }
0x29: {  	s4 =	sld [smem:$0x3FAE]  }
0x2a: {  	p0 =	seq.s32 s5, $0x0;
	s5 =	sld [smem:$0x3FAF]  }
0x2b: {  	s6 =	sld [smem:$0x3FB0]  }
0x2c: {  	s7 =	sld [smem:$0x3FB1]  }
0x2d: {  	s3 =	simm.s32 $0x108;
	s8 =	sld [smem:$0x3FB2]  }
0x2e: {  	s3 =	simm.s32 @!p0 $0x1082;
	s9 =	sld [smem:$0x3FB3]  }
0x2f: {  	lr =	sadd.s32 s0, s3;
	s0 =	sld [smem:$0x3FAA]  }
0x30: {  	s3 =	sld [smem:$0x3FAD]  }
0x31: {  	[smem:$0x3FB6] =	sst s10  }
0x32: {  	s10 =	sld [smem:$0x3FB4];
	_ =	sdelay $0x3  }
0x33: {  	p0 =	seq.s32 s10, $0x1;
	s10 =	sld [smem:$0x3FB6];
	_ =	sdelay $0x3  }
0x34: {  	[smem:$0x3FB6] =	sst s10  }
0x35: {  	s10 =	sld [smem:$0x3FB5];
	_ =	sdelay $0x3  }
0x36: {  	p1 =	seq.s32 s10, $0x1;
	s10 =	sld [smem:$0x3FB6];
	_ =	sdelay $0x3  }
0x37: {  	[smem:$0x3FB6] =	sst s10  }
0x38: {  	s10 =	sld [smem:$0x3FB7]  }
0x39: {  	_ = 	snop;
	(pc) =	sbr.ind lr, $3  }
0x3a: {  	_ = 	snop  }
0x3b: {  	_ = 	snop  }
0x3c: {  	p2 =	seq.s32 s10, $0x1;
	s10 =	sld [smem:$0x3FB6]  }
0x3d: {  	_ =	shalt  }
0x3e: {  	_ =	shalt  }
0x3f: {  	_ =	shalt  }
0x40: {  	_ =	shalt  }
0x41: {  	_ =	shalt  }
0x42: {  	_ =	shalt  }
0x43: {  	_ =	shalt  }
0x44: {  	_ =	shalt  }
0x45: {  	_ =	shalt  }
0x46: {  	_ =	shalt  }
0x47: {  	_ =	shalt  }
0x48: {  	_ =	shalt  }
0x49: {  	_ =	shalt  }
0x4a: {  	_ =	shalt  }
0x4b: {  	_ =	shalt  }
0x4c: {  	_ =	shalt  }
0x4d: {  	_ =	shalt  }
0x4e: {  	_ =	shalt  }
0x4f: {  	_ =	shalt  }
0x50: {  	_ =	shalt  }
0x51: {  	_ =	shalt  }
0x52: {  	_ =	shalt  }
0x53: {  	_ =	shalt  }
0x54: {  	_ =	shalt  }
0x55: {  	_ =	shalt  }
0x56: {  	_ =	shalt  }
0x57: {  	_ =	shalt  }
0x58: {  	_ =	shalt  }
0x59: {  	_ =	shalt  }
0x5a: {  	_ =	shalt  }
0x5b: {  	_ =	shalt  }
0x5c: {  	_ =	shalt  }
0x5d: {  	_ =	shalt  }
0x5e: {  	_ =	shalt  }
0x5f: {  	_ =	shalt  }
0x60: {  	_ =	shalt  }
0x61: {  	_ =	shalt  }
0x62: {  	_ =	shalt  }
0x63: {  	_ =	shalt  }
0x64: {  	_ =	shalt  }
0x65: {  	_ =	shalt  }
0x66: {  	_ =	shalt  }
0x67: {  	_ =	shalt  }
0x68: {  	_ =	shalt  }
0x69: {  	_ =	shalt  }
0x6a: {  	_ =	shalt  }
0x6b: {  	_ =	shalt  }
0x6c: {  	_ =	shalt  }
0x6d: {  	_ =	shalt  }
0x6e: {  	_ =	shalt  }
0x6f: {  	_ =	shalt  }
0x70: {  	_ =	shalt  }
0x71: {  	_ =	shalt  }
0x72: {  	_ =	shalt  }
0x73: {  	_ =	shalt  }
0x74: {  	_ =	shalt  }
0x75: {  	_ =	shalt  }
0x76: {  	_ =	shalt  }
0x77: {  	_ =	shalt  }
0x78: {  	_ =	shalt  }
0x79: {  	_ =	shalt  }
0x7a: {  	_ =	shalt  }
0x7b: {  	_ =	shalt  }
0x7c: {  	_ =	shalt  }
0x7d: {  	_ =	shalt  }
0x7e: {  	_ =	shalt  }
0x7f: {  	_ =	shalt  }
0x80: {  	_ =	shalt  }
0x81: {  	_ =	shalt  }
0x82: {  	_ =	shalt  }
0x83: {  	_ =	shalt  }
0x84: {  	_ =	shalt  }
0x85: {  	_ =	shalt  }
0x86: {  	_ =	shalt  }
0x87: {  	_ =	shalt  }
.Lfunc_end0:
.L_simem_size_0:
called_computation.1_lowered:
.L_overlay_start_0:
0x88: {  	s2 =	sld [smem:$0x3FD9]  }
0x89: {  	s3 =	sld [smem:$0x3FFE];
	_ =	sdelay $0x1  }
0x8a: {  	s1 =	srdreg.scid  }
0x8b: {  	s0 =	sand.u32 $0x1, s1  }
0x8c: {  	s17 =	sshll.u32 s0, $0xA;
	s2 =	sadd.s32 s3, s2  }
0x8d: {  	s2 =	sadd.s32 s2, s17  }
0x8e: {  	[smem:$0x3FC2] =	sst s2  }
0x8f: {  	_ = 	snop  }
0x90: {  	s2 =	sld [smem:$0x3FD0];
	(tm) =	ssettm $0x1  }
0x91: {  	s18 =	sld [smem:$0x3FFB];
	_ =	sdelay $0x3  }
0x92: {  	_ =	strace s18  }
0x93: {  	s3 =	sld [smem:$0x3FFC];
	_ =	sdelay $0x3  }
0x94: {  	_ =	strace s3  }
0x95: {  	s3 =	sld [smem:$0x3FFD];
	_ =	sdelay $0x3  }
0x96: {  	_ =	strace s3  }
0x97: {  	_ =	strace $0x8FFFFFFF  }
0x98: {  	s19 =	sld [smem:$0x3FDB];
	_ =	sdelay $0x1  }
0x99: {  	s4 =	simm.s32 $_scs_section_size  }
0x9a: {  	s5 =	simm.s32 $_size__tile_overlayer_lowered;
	s6 =	simm.s32 $_tile_overlayer_lowered  }
0x9b: {  	s22 =	simm.s32 $0x1BFF;
	s21 =	sshll.u32 s6, $0x1;
	s3 =	sadd.s32 s4, s19  }
0x9c: {  	s7 =	simm.s32 $0x0;
	s20 =	sshll.u32 s5, $0x1;
	s5 =	sadd.s32 s21, s3  }
0x9d: {  	[timem:s7], [sflag:s22] =	dma.local [hbm:s5], s20  }
0x9e: {  	_ =	swait.ge [sflag:s22], s20  }
0x9f: {  	s4 =	ssub.s32 $0x0, s20;
	[sflag:s22] =	ssyncset.done $0x0  }
0xa0: {  	[sflag:s22] =	ssyncadd.s32 s4;
	_ =	sdelay $0x1  }
0xa1: {  	s23 =	simm.s32 $0x1B8B  }
0xa2: {  	_ =	swait.ge [sflag:s23], $0x1  }
0xa3: {  	[sflag:s23] =	ssyncset.done $0x0  }
0xa4: {  	s25 =	simm.s32 $0x1B8E;
	s24 =	sld [smem:$0x3FFE];
	[sflag:s23] =	ssyncadd.s32 $0xFFFFFFFF  }
0xa5: {  	s26 =	simm.s32 $execute0_lowered;
	[smem:$0x3FD2] =	sst s25  }
0xa6: {  	s5 =	sshll.u32 s26, $0x1;
	_ =	strace $0x80000049;
	[dreg:$0x1] =	wrdreg $0xFFFFFFFF  }
0xa7: {  	s28 =	simm.s32 $_size_execute0_lowered;
	s3 =	sadd.s32 s3, s5;
	[dreg:$0x0] =	wrdreg $0x0  }
0xa8: {  	s5 =	sshll.u32 s28, $0x1;
	[dreg:$0x2] =	wrdreg s3  }
0xa9: {  	[dreg:$0x3] =	wrdreg s5  }
0xaa: {  	[dreg:$0x4] =	wrdreg $0xC0  }
0xab: {  	_ =	task [dreg:s7], $0x5FFFF  }
0xac: {  	[dreg:$0x1] =	wrdreg $0xFFFFFFFF  }
0xad: {  	[dreg:$0x0] =	wrdreg $0x60  }
0xae: {  	[dreg:$0x2] =	wrdreg s24  }
0xaf: {  	[dreg:$0x3] =	wrdreg s2  }
0xb0: {  	[dreg:$0x4] =	wrdreg $0xB0000  }
0xb1: {  	[dreg:$0x5] =	wrdreg $0x150000  }
0xb2: {  	[dreg:$0x6] =	wrdreg $0x9  }
0xb3: {  	_ =	task.clear_ibuf [dreg:s7], $0x7FFFF;
	_ =	strace $0x90000049  }
0xb4: {  	s29 =	simm.s32 $0x9;
	_ =	strace $0x8000004B  }
0xb5: {  	_ =	swait.ge [sflag:s29], $0x1  }
0xb6: {  	[sflag:s29] =	ssyncadd.s32 $0xFFFFFFFF  }
0xb7: {  	_ =	strace $0x9000004B  }
0xb8: {  	_ =	sfence  }
0xb9: {  	s30 =	sld [smem:$0x0];
	_ =	sdelay $0x2  }
0xba: {  	s31 =	sshll.u32 s1, $0xD;
	s1 =	sshrl.u32 s1, $0x2  }
0xbb: {  	s3 =	sand.u32 $0x4000, s31;
	s1 =	sadd.s32 s1, s30  }
0xbc: {  	s0 =	sor.u32 s3, s0;
	s1 =	sshll.u32 s1, $0x11  }
0xbd: {  	s0 =	sor.u32 s1, s0  }
0xbe: {  	s0 =	sadd.s32 $0x8F2B, s0  }
0xbf: {  	[sflag:s0] =	ssyncadd.remote.s32 $0x1  }
0xc0: {  	_ =	sfence.sel $0xFFFF  }
0xc1: {  	[dreg:$0x0] =	wrdreg $0xFFFFFFFF;
	(pc) =	sbr.abs _section_cstart, $3  }
0xc2: {  	[dreg:$0x1] =	wrdreg $0xFFFFFFFF  }
0xc3: {  	_ =	task.clear_ibuf [dreg:s7], $0x2FFFF;
	_ =	strace $0x9FFFFFFF  }
0xc4: {  	(tm) =	ssettm $0x7FFFFFFF  }
0xc5: {  	_ =	shalt  }
tec
execute0_lowered:
.L_overlay_start_1:
0x0: {  	(tag) =	ssettag $0x1  }
0x1: {  	s0 =	rddreg [dreg:$0x0]  }
0x2: {  	s1 =	rddreg [dreg:$0x1]  }
0x3: {  	s2 =	rddreg [dreg:$0x2]  }
0x4: {  	s3 =	rddreg [dreg:$0x3]  }
0x5: {  	s4 =	stileid.u32;
	s5 =	srdreg.scid  }
0x6: {  	s7 =	simm.s32 $0x0;
	s13 =	simm.s32 $0x7;
	s17 =	simm.s32 $0x40  }
0x7: {  	s19 =	simm.s32 $0x6000;
	s28 =	simm.s32 $0xA000;
	s29 =	simm.s32 $0x5  }
0x8: {  	s31 =	simm.s32 $0x6;
	s6 =	smul.u32 $0xA000, s4;
	s5 =	sand.u32 $0x1, s5  }
0x9: {  	[smem:$0x7FF] =	sst s7;
	s20 =	sshll.u32 s4, $0x1;
	s30 =	sshll.u32 s4, $0x6  }
0xa: {  	s8 =	smul.u32 $0xA0000, s5;
	_ =	strace $0x8000004A;
	s7 =	sor.u32 s5, s20  }
0xb: {  	s5 =	ssub.s32 $0x2, s5;
	s14 =	sor.u32 $0x1C07, s30;
	s20 =	simm.s32 $0x0  }
0xc: {  	s9 =	sshrl.u32 s6, $0x3;
	s7 =	smul.u32 $0x500, s7;
	s10 =	sshrl.u32 s5, $0x1  }
0xd: {  	s22 =	sadd.s32 s6, s2;
	s8 =	sadd.s32 s6, s8;
	s9 =	sadd.s32 s9, s0  }
0xe: {  	s5 =	ssub.s32 s5, s10;
	s6 =	sadd.s32 s6, s3;
	s15 =	sshrl.u32 s22, $0x3  }
0xf: {  	s8 =	sshrl.u32 s8, $0x3;
	s11 =	sadd.s32 s7, s0;
	s1 =	sadd.s32 s1, s7  }
0x10: {  	s23 =	sadd.s32 $0x77C00, s9;
	s25 =	sadd.s32 $0x63C00, s9;
	s26 =	smax.u32 s5, $0x1  }
0x11: {  	s16 =	sshrl.u32 s6, $0x3;
	s7 =	simm.s32 $0x5000;
	[dreg:$0x6] =	wrdreg s1  }
0x12: {  	s6 =	simm.s32 $0x2;
	s0 =	sadd.s32 s8, s0;
	[dreg:$0x7] =	wrdreg s23  }
0x13: {  	s21 =	sadd.s32 $0x9C00, s11;
	s8 =	sadd.s32 $0x8BC00, s9;
	[dreg:$0x9] =	wrdreg s25  }
0x14: {  	[dreg:$0xb] =	wrdreg s26;
	s23 =	simm.s32 $0x8000;
	s25 =	simm.s32 $0x9000  }
0x15: {  	s1 =	simm.s32 $0x1;
	[dreg:$0x5] =	wrdreg s21;
	s24 =	sadd.s32 $0xC7C00, s0  }
0x16: {  	s9 =	simm.s32 $0x3;
	s0 =	sadd.s32 $0x9FC00, s0;
	[dreg:$0x8] =	wrdreg s24  }
0x17: {  	s11 =	simm.s32 $0x4;
	s21 =	simm.s32 $0x7000;
	[dreg:$0xa] =	wrdreg s0  }
.LBB2_1:
0x18: {  	s4 =	simm.s32 $0x0;
	s0 =	rddreg [dreg:$0x5]  }
0x19: {  	[tilespmem:s4], [sflag:$0x7] =	stream.linear.gather [hbm4b:s0+s4], $0x2800, $0x38;
	[tilespmem:$0x1F000] =	vst v63  }
0x1a: {  	_ =	swait.ge [sflag:s13], $0x2800  }
0x1b: {  	[sflag:s13] =	ssyncset.done $0x0  }
0x1c: {  	s0 =	simm.s32 $0x2800;
	s5 =	rddreg [dreg:$0x6];
	[sflag:s13] =	ssyncadd.s32 $0xFFFFD800  }
0x1d: {  	[tilespmem:s0], [sflag:$0x7] =	stream.linear.gather [hbm4b:s5+s4], $0x2800, $0x38;
	[tilespmem:$0x1F000] =	vst v63  }
0x1e: {  	_ =	swait.ge [sflag:s13], $0x2800  }
0x1f: {  	[sflag:s13] =	ssyncset.done $0x0  }
0x20: {  	s26 =	rddreg [dreg:$0x7];
	[sflag:s13] =	ssyncadd.s32 $0xFFFFD800  }
0x21: {  	[spmem:s15], [sflag:s14] =	dma.local [hbm:s26], $0x1400  }
0x22: {  	_ =	swait.ge [sflag:s13], $0x1400  }
0x23: {  	[sflag:s13] =	ssyncset.done $0x0  }
0x24: {  	[sflag:s13] =	ssyncadd.s32 $0xFFFFEC00  }
0x25: {  	[spmem:s16], [sflag:s14] =	dma.local [hbm:s8], $0x1400  }
0x26: {  	_ =	swait.ge [sflag:s13], $0x1400  }
0x27: {  	s18 =	smul.u32 $0xAB, s4;
	[sflag:s13] =	ssyncset.done $0x0  }
0x28: {  	[sflag:s13] =	ssyncadd.s32 $0xFFFFEC00  }
0x29: {  	s5 =	sshrl.u32 s18, $0xA;
	[bflag:$0x0] =	sbarrier.arrive $0xFFFF  }
0x2a: {  	[tilespmem:s7], [sflag:$0x1] =	stream.indirect.gather [spmem:s2], $0x40, s4, s17, $0xb8;
	[tilespmem:$0x1F000] =	vst v63  }
0x2b: {  	s5 =	sand.u32 $0x3F, s5  }
0x2c: {  	[tilespmem:s19], [sflag:$0x2] =	stream.indirect.gather [spmem:s2], $0x40, s17, s17, $0xb8;
	[tilespmem:$0x1F000] =	vst v63  }
0x2d: {  	s10 =	simm.s32 $0x80;
	s5 =	smul.u32 $0x6, s5  }
0x2e: {  	[tilespmem:s21], [sflag:$0x3] =	stream.indirect.gather [spmem:s2], $0x40, s10, s17, $0xb8;
	[tilespmem:$0x1F000] =	vst v63  }
0x2f: {  	s12 =	simm.s32 $0xC0;
	s5 =	ssub.s32 $0x0, s5  }
0x30: {  	[tilespmem:s23], [sflag:$0x4] =	stream.indirect.gather [spmem:s2], $0x40, s12, s17, $0xb8;
	[tilespmem:$0x1F000] =	vst v63  }
0x31: {  	s22 =	simm.s32 $0x100;
	s30 =	simm.s32 $0x1;
	s5 =	sand.u32 $0xFF, s5  }
0x32: {  	[tilespmem:s25], [sflag:$0x5] =	stream.indirect.gather [spmem:s2], $0x40, s22, s17, $0xb8;
	[tilespmem:$0x1F000] =	vst v63  }
0x33: {  	s24 =	simm.s32 $0x140;
	s26 =	smul.u32 $0xAB, s30;
	s22 =	sadd.s32 $0x1, s5  }
0x34: {  	[tilespmem:s28], [sflag:$0x6] =	stream.indirect.gather [spmem:s2], $0x40, s24, s17, $0xb8;
	[tilespmem:$0x1F000] =	vst v63  }
0x35: {  	s7 =	simm.s32 $0x2;
	s10 =	sshrl.u32 s26, $0xA;
	_ =	swait.ge [sflag:s22], $0x1000  }
0x36: {  	s10 =	sand.u32 $0x3F, s10;
	s5 =	sshll.u32 s5, $0xC;
	[sflag:s22] =	ssyncset.done $0x0  }
0x37: {  	s10 =	smul.u32 $0x6, s10;
	s5 =	sadd.s32 $0x5000, s5;
	[sflag:s22] =	ssyncadd.s32 $0xFFFFF000  }
0x38: {  	[spmem:s3] =	stream.indirect.scatter.add.f32 [tilespmem:s5], [sflag:$0x7], $0x40, s0, s17, $0xb8;
	[tilespmem:$0x1F000] =	vst v63  }
0x39: {  	s26 =	simm.s32 $0x2840;
	s24 =	simm.s32 $0x1C0;
	s0 =	simm.s32 $0x180  }
.LBB2_2:
0x3a: {  	s10 =	ssub.s32 s30, s10;
	_ =	swait.ge [sflag:s13], $0x1000  }
0x3b: {  	s30 =	smov.u32 s7;
	s12 =	sadd.s32 $0x1, s7;
	s4 =	smov.u32 s26  }
0x3c: {  	p0 =	sne.s32 s7, $0x99;
	s7 =	sand.u32 $0xFF, s10;
	[sflag:s13] =	ssyncset.done $0x0  }
0x3d: {  	s10 =	sshll.u32 s7, $0xC;
	s7 =	sadd.s32 $0x1, s7;
	[sflag:s13] =	ssyncadd.s32 $0xFFFFF000  }
0x3e: {  	[tilespmem:s5], [sflag:s22] =	stream.indirect.gather [spmem:s2], $0x40, s0, s17, $0xb8;
	[tilespmem:$0x1F000] =	vst v63  }
0x3f: {  	s5 =	smul.u32 $0xAB, s30;
	s22 =	smov.u32 s7;
	s0 =	smov.u32 s24  }
.Ltmp0:
0x40: {  	s26 =	sadd.s32 $0x40, s26;
	(pc) =	sbr.rel @p0 .LBB2_2-.Ltmp0, $4  }
0x41: {  	s24 =	sadd.s32 $0x40, s24;
	s5 =	sshrl.u32 s5, $0xA;
	_ =	swait.ge [sflag:s22], $0x1000  }
0x42: {  	s7 =	sand.u32 $0x3F, s5;
	s5 =	sadd.s32 $0x5000, s10;
	[sflag:s22] =	ssyncset.done $0x0  }
0x43: {  	s10 =	smul.u32 $0x6, s7;
	s7 =	smov.u32 s12;
	[sflag:s22] =	ssyncadd.s32 $0xFFFFF000  }
0x44: {  	[spmem:s3] =	stream.indirect.scatter.add.f32 [tilespmem:s5], [sflag:$0x7], $0x40, s4, s17, $0xb8;
	[tilespmem:$0x1F000] =	vst v63  }
0x45: {  	s4 =	ssub.s32 s30, s10;
	_ =	swait.ge [sflag:s13], $0x1000  }
0x46: {  	s4 =	sand.u32 $0xFF, s4;
	[sflag:s13] =	ssyncset.done $0x0  }
0x47: {  	s7 =	sadd.s32 $0x1, s4;
	[sflag:s13] =	ssyncadd.s32 $0xFFFFF000  }
0x48: {  	[tilespmem:s5], [sflag:s22] =	stream.indirect.gather [spmem:s2], $0x40, s0, s17, $0xb8;
	[tilespmem:$0x1F000] =	vst v63  }
0x49: {  	_ =	swait.ge [sflag:s7], $0x1000  }
0x4a: {  	s22 =	sshll.u32 s4, $0xC;
	[sflag:s7] =	ssyncset.done $0x0  }
0x4b: {  	s0 =	sadd.s32 $0x5000, s22;
	[sflag:s7] =	ssyncadd.s32 $0xFFFFF000  }
0x4c: {  	[spmem:s3] =	stream.indirect.scatter.add.f32 [tilespmem:s0], [sflag:$0x7], $0x40, s26, s17, $0xb8;
	[tilespmem:$0x1F000] =	vst v63  }
0x4d: {  	_ =	swait.ge [sflag:s13], $0x1000  }
0x4e: {  	[sflag:s13] =	ssyncset.done $0x0  }
0x4f: {  	[sflag:s13] =	ssyncadd.s32 $0xFFFFF000  }
0x50: {  	[tilespmem:s0], [sflag:s7] =	stream.indirect.gather [spmem:s2], $0x40, s24, s17, $0xb8;
	[tilespmem:$0x1F000] =	vst v63  }
0x51: {  	_ =	swait.ge [sflag:s29], $0x1000  }
0x52: {  	[sflag:s29] =	ssyncset.done $0x0  }
0x53: {  	s26 =	simm.s32 $0x4E80;
	[sflag:s29] =	ssyncadd.s32 $0xFFFFF000  }
0x54: {  	[spmem:s3] =	stream.indirect.scatter.add.f32 [tilespmem:s25], [sflag:$0x7], $0x40, s26, s17, $0xb8;
	[tilespmem:$0x1F000] =	vst v63  }
0x55: {  	_ =	swait.ge [sflag:s13], $0x1000  }
0x56: {  	[sflag:s13] =	ssyncset.done $0x0  }
0x57: {  	[sflag:s13] =	ssyncadd.s32 $0xFFFFF000  }
0x58: {  	_ =	swait.ge [sflag:s31], $0x1000  }
0x59: {  	[sflag:s31] =	ssyncset.done $0x0  }
0x5a: {  	s4 =	simm.s32 $0x4EC0;
	[sflag:s31] =	ssyncadd.s32 $0xFFFFF000  }
0x5b: {  	[spmem:s3] =	stream.indirect.scatter.add.f32 [tilespmem:s28], [sflag:$0x7], $0x40, s4, s17, $0xb8;
	[tilespmem:$0x1F000] =	vst v63  }
0x5c: {  	_ =	swait.ge [sflag:s13], $0x1000  }
0x5d: {  	[sflag:s13] =	ssyncset.done $0x0  }
0x5e: {  	[sflag:s13] =	ssyncadd.s32 $0xFFFFF000  }
0x5f: {  	_ =	swait.ge [sflag:s1], $0x1000  }
0x60: {  	[sflag:s1] =	ssyncset.done $0x0  }
0x61: {  	s5 =	simm.s32 $0x5000;
	s7 =	simm.s32 $0x4F00;
	[sflag:s1] =	ssyncadd.s32 $0xFFFFF000  }
0x62: {  	[spmem:s3] =	stream.indirect.scatter.add.f32 [tilespmem:s5], [sflag:$0x7], $0x40, s7, s17, $0xb8;
	[tilespmem:$0x1F000] =	vst v63  }
0x63: {  	_ =	swait.ge [sflag:s13], $0x1000  }
0x64: {  	[sflag:s13] =	ssyncset.done $0x0  }
0x65: {  	[sflag:s13] =	ssyncadd.s32 $0xFFFFF000  }
0x66: {  	_ =	swait.ge [sflag:s6], $0x1000  }
0x67: {  	[sflag:s6] =	ssyncset.done $0x0  }
0x68: {  	s10 =	simm.s32 $0x4F40;
	[sflag:s6] =	ssyncadd.s32 $0xFFFFF000  }
0x69: {  	[spmem:s3] =	stream.indirect.scatter.add.f32 [tilespmem:s19], [sflag:$0x7], $0x40, s10, s17, $0xb8;
	[tilespmem:$0x1F000] =	vst v63  }
0x6a: {  	_ =	swait.ge [sflag:s13], $0x1000  }
0x6b: {  	[sflag:s13] =	ssyncset.done $0x0  }
0x6c: {  	[sflag:s13] =	ssyncadd.s32 $0xFFFFF000  }
0x6d: {  	_ =	swait.ge [sflag:s9], $0x1000  }
0x6e: {  	[sflag:s9] =	ssyncset.done $0x0  }
0x6f: {  	s12 =	simm.s32 $0x4F80;
	[sflag:s9] =	ssyncadd.s32 $0xFFFFF000  }
0x70: {  	[spmem:s3] =	stream.indirect.scatter.add.f32 [tilespmem:s21], [sflag:$0x7], $0x40, s12, s17, $0xb8;
	[tilespmem:$0x1F000] =	vst v63  }
0x71: {  	_ =	swait.ge [sflag:s13], $0x1000  }
0x72: {  	[sflag:s13] =	ssyncset.done $0x0  }
0x73: {  	[sflag:s13] =	ssyncadd.s32 $0xFFFFF000  }
0x74: {  	_ =	swait.ge [sflag:s11], $0x1000  }
0x75: {  	[sflag:s11] =	ssyncset.done $0x0  }
0x76: {  	s18 =	simm.s32 $0x4FC0;
	[sflag:s11] =	ssyncadd.s32 $0xFFFFF000  }
0x77: {  	[spmem:s3] =	stream.indirect.scatter.add.f32 [tilespmem:s23], [sflag:$0x7], $0x40, s18, s17, $0xb8;
	[tilespmem:$0x1F000] =	vst v63  }
0x78: {  	_ =	swait.ge [sflag:s13], $0x1000  }
0x79: {  	[sflag:s13] =	ssyncset.done $0x0  }
0x7a: {  	[sflag:s13] =	ssyncadd.s32 $0xFFFFF000  }
0x7b: {  	[bflag:$0x0] =	sbarrier.arrive $0xFFFF  }
0x7c: {  	s22 =	rddreg [dreg:$0x8]  }
0x7d: {  	[hbm:s22], [sflag:s14] =	dma.local [spmem:s16], $0x1400  }
0x7e: {  	_ =	swait.ge [sflag:s13], $0x1400  }
0x7f: {  	[sflag:s13] =	ssyncset.done $0x0  }
0x80: {  	[sflag:s13] =	ssyncadd.s32 $0xFFFFEC00  }
0x81: {  	[bflag:$0x0] =	sbarrier.arrive $0xFFFF  }
0x82: {  	s24 =	rddreg [dreg:$0x9]  }
0x83: {  	[spmem:s15], [sflag:s14] =	dma.local [hbm:s24], $0x1400  }
0x84: {  	_ =	swait.ge [sflag:s13], $0x1400  }
0x85: {  	s26 =	simm.s32 $0x0;
	[sflag:s13] =	ssyncset.done $0x0  }
0x86: {  	s0 =	smul.u32 $0xAB, s26;
	[sflag:s13] =	ssyncadd.s32 $0xFFFFEC00  }
0x87: {  	[spmem:s16], [sflag:s14] =	dma.local [hbm:s8], $0x1400  }
0x88: {  	_ =	swait.ge [sflag:s13], $0x1400  }
0x89: {  	s0 =	sshrl.u32 s0, $0xA;
	[sflag:s13] =	ssyncset.done $0x0  }
0x8a: {  	s0 =	sand.u32 $0x3F, s0;
	[sflag:s13] =	ssyncadd.s32 $0xFFFFEC00  }
0x8b: {  	s0 =	smul.u32 $0x6, s0;
	[bflag:$0x0] =	sbarrier.arrive $0xFFFF  }
0x8c: {  	[tilespmem:s5], [sflag:$0x1] =	stream.indirect.gather [spmem:s2], $0x40, s26, s17, $0xb8;
	[tilespmem:$0x1F000] =	vst v63  }
0x8d: {  	s0 =	ssub.s32 $0x0, s0  }
0x8e: {  	[tilespmem:s19], [sflag:$0x2] =	stream.indirect.gather [spmem:s2], $0x40, s17, s17, $0xb8;
	[tilespmem:$0x1F000] =	vst v63  }
0x8f: {  	s0 =	sand.u32 $0xFF, s0;
	s5 =	simm.s32 $0x80  }
0x90: {  	[tilespmem:s21], [sflag:$0x3] =	stream.indirect.gather [spmem:s2], $0x40, s5, s17, $0xb8;
	[tilespmem:$0x1F000] =	vst v63  }
0x91: {  	s7 =	simm.s32 $0xC0;
	s18 =	smov.u32 s15;
	s22 =	simm.s32 $0x1  }
0x92: {  	[tilespmem:s23], [sflag:$0x4] =	stream.indirect.gather [spmem:s2], $0x40, s7, s17, $0xb8;
	[tilespmem:$0x1F000] =	vst v63  }
0x93: {  	s12 =	smul.u32 $0xAB, s22;
	s15 =	smov.u32 s8;
	s8 =	simm.s32 $0x100  }
0x94: {  	[tilespmem:s25], [sflag:$0x5] =	stream.indirect.gather [spmem:s2], $0x40, s8, s17, $0xb8;
	[tilespmem:$0x1F000] =	vst v63  }
0x95: {  	s10 =	simm.s32 $0x140;
	s4 =	sshrl.u32 s12, $0xA;
	s26 =	sadd.s32 $0x1, s0  }
0x96: {  	[tilespmem:s28], [sflag:$0x6] =	stream.indirect.gather [spmem:s2], $0x40, s10, s17, $0xb8;
	[tilespmem:$0x1F000] =	vst v63  }
0x97: {  	s30 =	simm.s32 $0x2840;
	s4 =	sand.u32 $0x3F, s4;
	_ =	swait.ge [sflag:s26], $0x1000  }
0x98: {  	s24 =	simm.s32 $0x2800;
	s0 =	sshll.u32 s0, $0xC;
	[sflag:s26] =	ssyncset.done $0x0  }
0x99: {  	s5 =	sadd.s32 $0x5000, s0;
	s7 =	smul.u32 $0x6, s4;
	[sflag:s26] =	ssyncadd.s32 $0xFFFFF000  }
0x9a: {  	[spmem:s3] =	stream.indirect.scatter.add.f32 [tilespmem:s5], [sflag:$0x7], $0x40, s24, s17, $0xb8;
	[tilespmem:$0x1F000] =	vst v63  }
0x9b: {  	s0 =	simm.s32 $0x180;
	s10 =	simm.s32 $0x2;
	s24 =	simm.s32 $0x1C0  }
.LBB2_4:
0x9c: {  	s4 =	ssub.s32 s22, s7;
	_ =	swait.ge [sflag:s13], $0x1000  }
0x9d: {  	s22 =	smov.u32 s10;
	s12 =	sadd.s32 $0x1, s10;
	s8 =	smov.u32 s30  }
0x9e: {  	p0 =	sne.s32 s10, $0x99;
	s4 =	sand.u32 $0xFF, s4;
	[sflag:s13] =	ssyncset.done $0x0  }
0x9f: {  	s7 =	sshll.u32 s4, $0xC;
	s4 =	sadd.s32 $0x1, s4;
	[sflag:s13] =	ssyncadd.s32 $0xFFFFF000  }
0xa0: {  	[tilespmem:s5], [sflag:s26] =	stream.indirect.gather [spmem:s2], $0x40, s0, s17, $0xb8;
	[tilespmem:$0x1F000] =	vst v63  }
0xa1: {  	s5 =	smul.u32 $0xAB, s22;
	s26 =	smov.u32 s4;
	s0 =	smov.u32 s24  }
.Ltmp1:
0xa2: {  	s30 =	sadd.s32 $0x40, s30;
	(pc) =	sbr.rel @p0 .LBB2_4-.Ltmp1, $4  }
0xa3: {  	s10 =	smov.u32 s12;
	s4 =	sshrl.u32 s5, $0xA;
	_ =	swait.ge [sflag:s26], $0x1000  }
0xa4: {  	s5 =	sadd.s32 $0x5000, s7;
	s4 =	sand.u32 $0x3F, s4;
	[sflag:s26] =	ssyncset.done $0x0  }
0xa5: {  	s24 =	sadd.s32 $0x40, s24;
	s7 =	smul.u32 $0x6, s4;
	[sflag:s26] =	ssyncadd.s32 $0xFFFFF000  }
0xa6: {  	[spmem:s3] =	stream.indirect.scatter.add.f32 [tilespmem:s5], [sflag:$0x7], $0x40, s8, s17, $0xb8;
	[tilespmem:$0x1F000] =	vst v63  }
0xa7: {  	_ =	swait.ge [sflag:s13], $0x1000  }
0xa8: {  	[sflag:s13] =	ssyncset.done $0x0  }
0xa9: {  	[sflag:s13] =	ssyncadd.s32 $0xFFFFF000  }
0xaa: {  	[tilespmem:s5], [sflag:s26] =	stream.indirect.gather [spmem:s2], $0x40, s0, s17, $0xb8;
	[tilespmem:$0x1F000] =	vst v63  }
0xab: {  	s5 =	ssub.s32 s22, s7  }
0xac: {  	s0 =	sand.u32 $0xFF, s5  }
0xad: {  	s4 =	sadd.s32 $0x1, s0  }
0xae: {  	_ =	swait.ge [sflag:s4], $0x1000  }
0xaf: {  	s0 =	sshll.u32 s0, $0xC;
	[sflag:s4] =	ssyncset.done $0x0  }
0xb0: {  	s0 =	sadd.s32 $0x5000, s0;
	[sflag:s4] =	ssyncadd.s32 $0xFFFFF000  }
0xb1: {  	[spmem:s3] =	stream.indirect.scatter.add.f32 [tilespmem:s0], [sflag:$0x7], $0x40, s30, s17, $0xb8;
	[tilespmem:$0x1F000] =	vst v63  }
0xb2: {  	_ =	swait.ge [sflag:s13], $0x1000  }
0xb3: {  	[sflag:s13] =	ssyncset.done $0x0  }
0xb4: {  	[sflag:s13] =	ssyncadd.s32 $0xFFFFF000  }
0xb5: {  	[tilespmem:s0], [sflag:s4] =	stream.indirect.gather [spmem:s2], $0x40, s24, s17, $0xb8;
	[tilespmem:$0x1F000] =	vst v63  }
0xb6: {  	_ =	swait.ge [sflag:s29], $0x1000  }
0xb7: {  	[sflag:s29] =	ssyncset.done $0x0  }
0xb8: {  	s7 =	simm.s32 $0x4E80;
	[sflag:s29] =	ssyncadd.s32 $0xFFFFF000  }
0xb9: {  	[spmem:s3] =	stream.indirect.scatter.add.f32 [tilespmem:s25], [sflag:$0x7], $0x40, s7, s17, $0xb8;
	[tilespmem:$0x1F000] =	vst v63  }
0xba: {  	_ =	swait.ge [sflag:s13], $0x1000  }
0xbb: {  	[sflag:s13] =	ssyncset.done $0x0  }
0xbc: {  	[sflag:s13] =	ssyncadd.s32 $0xFFFFF000  }
0xbd: {  	_ =	swait.ge [sflag:s31], $0x1000  }
0xbe: {  	[sflag:s31] =	ssyncset.done $0x0  }
0xbf: {  	s8 =	simm.s32 $0x4EC0;
	[sflag:s31] =	ssyncadd.s32 $0xFFFFF000  }
0xc0: {  	[spmem:s3] =	stream.indirect.scatter.add.f32 [tilespmem:s28], [sflag:$0x7], $0x40, s8, s17, $0xb8;
	[tilespmem:$0x1F000] =	vst v63  }
0xc1: {  	_ =	swait.ge [sflag:s13], $0x1000  }
0xc2: {  	[sflag:s13] =	ssyncset.done $0x0  }
0xc3: {  	[sflag:s13] =	ssyncadd.s32 $0xFFFFF000  }
0xc4: {  	_ =	swait.ge [sflag:s1], $0x1000  }
0xc5: {  	[sflag:s1] =	ssyncset.done $0x0  }
0xc6: {  	s10 =	simm.s32 $0x4F00;
	s7 =	simm.s32 $0x5000;
	[sflag:s1] =	ssyncadd.s32 $0xFFFFF000  }
0xc7: {  	[spmem:s3] =	stream.indirect.scatter.add.f32 [tilespmem:s7], [sflag:$0x7], $0x40, s10, s17, $0xb8;
	[tilespmem:$0x1F000] =	vst v63  }
0xc8: {  	_ =	swait.ge [sflag:s13], $0x1000  }
0xc9: {  	[sflag:s13] =	ssyncset.done $0x0  }
0xca: {  	[sflag:s13] =	ssyncadd.s32 $0xFFFFF000  }
0xcb: {  	_ =	swait.ge [sflag:s6], $0x1000  }
0xcc: {  	[sflag:s6] =	ssyncset.done $0x0  }
0xcd: {  	s12 =	simm.s32 $0x4F40;
	[sflag:s6] =	ssyncadd.s32 $0xFFFFF000  }
0xce: {  	[spmem:s3] =	stream.indirect.scatter.add.f32 [tilespmem:s19], [sflag:$0x7], $0x40, s12, s17, $0xb8;
	[tilespmem:$0x1F000] =	vst v63  }
0xcf: {  	_ =	swait.ge [sflag:s13], $0x1000  }
0xd0: {  	[sflag:s13] =	ssyncset.done $0x0  }
0xd1: {  	[sflag:s13] =	ssyncadd.s32 $0xFFFFF000  }
0xd2: {  	_ =	swait.ge [sflag:s9], $0x1000  }
0xd3: {  	[sflag:s9] =	ssyncset.done $0x0  }
0xd4: {  	s22 =	simm.s32 $0x4F80;
	[sflag:s9] =	ssyncadd.s32 $0xFFFFF000  }
0xd5: {  	[spmem:s3] =	stream.indirect.scatter.add.f32 [tilespmem:s21], [sflag:$0x7], $0x40, s22, s17, $0xb8;
	[tilespmem:$0x1F000] =	vst v63  }
0xd6: {  	_ =	swait.ge [sflag:s13], $0x1000  }
0xd7: {  	[sflag:s13] =	ssyncset.done $0x0  }
0xd8: {  	[sflag:s13] =	ssyncadd.s32 $0xFFFFF000  }
0xd9: {  	_ =	swait.ge [sflag:s11], $0x1000  }
0xda: {  	[sflag:s11] =	ssyncset.done $0x0  }
0xdb: {  	s24 =	simm.s32 $0x4FC0;
	[sflag:s11] =	ssyncadd.s32 $0xFFFFF000  }
0xdc: {  	[spmem:s3] =	stream.indirect.scatter.add.f32 [tilespmem:s23], [sflag:$0x7], $0x40, s24, s17, $0xb8;
	[tilespmem:$0x1F000] =	vst v63  }
0xdd: {  	_ =	swait.ge [sflag:s13], $0x1000  }
0xde: {  	[sflag:s13] =	ssyncset.done $0x0  }
0xdf: {  	[sflag:s13] =	ssyncadd.s32 $0xFFFFF000  }
0xe0: {  	[bflag:$0x0] =	sbarrier.arrive $0xFFFF  }
0xe1: {  	s26 =	rddreg [dreg:$0xa]  }
0xe2: {  	[hbm:s26], [sflag:s14] =	dma.local [spmem:s16], $0x1400  }
0xe3: {  	_ =	swait.ge [sflag:s13], $0x1400  }
0xe4: {  	s20 =	sadd.s32 $0x1, s20;
	s30 =	rddreg [dreg:$0xb]  }
0xe5: {  	p0 =	sne.s32 s20, s30  }
.Ltmp2:
0xe6: {  	_ = 	snop;
	(pc) =	sbr.rel @p0 .LBB2_1-.Ltmp2, $4  }
0xe7: {  	[sflag:s13] =	ssyncset.done $0x0  }
0xe8: {  	[sflag:s13] =	ssyncadd.s32 $0xFFFFEC00  }
0xe9: {  	[bflag:$0x0] =	sbarrier.arrive $0xFFFF  }
0xea: {  	s8 =	smov.u32 s15;
	s15 =	smov.u32 s18  }
0xeb: {  	_ =	sfence.sel $0x180000  }
0xec: {  	[bflag:$0x0] =	sbarrier.arrive $0xFFFF  }
0xed: {  	_ =	strace $0x9000004A  }
0xee: {  	s0 =	stileid.u32;
	[bflag:$0x2] =	sbarrier.arrive $0xFFFF  }
0xef: {  	p0 =	sne.s32 s0, $0x0;
	s0 =	rddreg [dreg:$0x4]  }
0xf0: {  	s0 =	sadd.s32 @!p0 $0x100000, s0  }
0xf1: {  	[sflag:s0] =	ssyncadd.tile.s32 @!p0 $0x1;
	_ =	shalt  }
.Lfunc_end2:
_tile_overlayer_lowered:
.L_overlay_start_2:
0xf2: {  	(tag) =	ssettag $0x2  }
0xf3: {  	s0 =	rddreg [dreg:$0x0];
	s2 =	stileid.u32  }
0xf4: {  	s1 =	rddreg [dreg:$0x1];
	p0 =	sne.s32 s2, $0x0  }
0xf5: {  	s3 =	rddreg [dreg:$0x2];
	[bflag:$0x3] =	sbarrier.arrive $0xFFFF;
	s2 =	simm.s32 @!p0 $0x1C07  }
0xf6: {  	[timem:s3], [sflag:s2] =	dma.local @!p0 [hbm:s0], s1  }
0xf7: {  	s0 =	simm.s32 @!p0 $0x7  }
0xf8: {  	_ =	swait.ge @!p0 [sflag:s0], s1  }
0xf9: {  	s1 =	ssub.s32 @!p0 $0x0, s1;
	[sflag:s0] =	ssyncset.done @!p0 $0x0  }
0xfa: {  	[sflag:s0] =	ssyncadd.s32 @!p0 s1  }
0xfb: {  	[bflag:$0x3] =	sbarrier.arrive $0xFFFF  }
0xfc: {  	_ =	shalt  }

// kernel: kernel.14.cloned.1.call-start
scs
__scs_entry_jumppad:
0x0: {  	(pc) =	sbr.rel $0x88, $3  }
0x1: {  	(tag) =	ssettag $0x0;
	lr =	simm.s32 $0x1  }
0x2: {  	[smem:$0x3F9B] =	sst lr;
	_ =	strace $0xD0000000  }
0x3: {  	_ = 	snop  }
0x4: {  	_ = 	snop  }
0x5: {  	_ = 	snop  }
0x6: {  	_ = 	snop  }
0x7: {  	_ = 	snop  }
__scs_overlays_trampoline_lowered:
0x8: {  	[smem:$0x3FAA] =	sst s0  }
0x9: {  	[smem:$0x3FAB] =	sst s1  }
0xa: {  	[smem:$0x3FAC] =	sst s2  }
0xb: {  	[smem:$0x3FAD] =	sst s3  }
0xc: {  	[smem:$0x3FAE] =	sst s4  }
0xd: {  	[smem:$0x3FAF] =	sst s5  }
0xe: {  	[smem:$0x3FB0] =	sst s6  }
0xf: {  	[smem:$0x3FB1] =	sst s7  }
0x10: {  	[smem:$0x3FB2] =	sst s8  }
0x11: {  	[smem:$0x3FB3] =	sst s9;
	s0 =	simm.s32 @!p0 $0x0  }
0x12: {  	s1 =	sld [smem:$0x3F99];
	s0 =	simm.s32 @p0 $0x1  }
0x13: {  	[smem:$0x3FB4] =	sst s0;
	s0 =	simm.s32 @!p1 $0x0  }
0x14: {  	s2 =	sld [smem:$0x3F98];
	s0 =	simm.s32 @p1 $0x1  }
0x15: {  	[smem:$0x3FB5] =	sst s0;
	s0 =	simm.s32 @!p2 $0x0  }
0x16: {  	s3 =	sld [smem:$0x3FDB];
	s0 =	simm.s32 @p2 $0x1  }
0x17: {  	s4 =	simm.s32 $0x1BF5;
	[smem:$0x3FB7] =	sst s0  }
0x18: {  	s0 =	sld [smem:$0x3F9A];
	_ =	swait.ge [sflag:s4], $0x0  }
0x19: {  	s7 =	sld [smem:$0x3F9B]  }
0x1a: {  	s8 =	sadd.s32 $0xFFFFE003, lr  }
0x1b: {  	s9 =	sadd.s32 $0xFFFFFEF7, lr;
	s5 =	simm.s32 $0xFFFFFFFF;
	p2 =	slt.u32 s8, $0xFFFFF086  }
0x1c: {  	p1 =	slt.u32 s9, $0xF7A;
	s5 =	simm.s32 @!p2 $0x0  }
0x1d: {  	s5 =	simm.s32 @p1 $0x1;
	p0 =	seq.s32 s7, s2  }
0x1e: {  	s7 =	smul.u32 @!p0 $0xF7A, s2;
	p2 =	seq.s32 @!p0 s5, $0x0  }
0x1f: {  	s9 =	smul.u32 $0xF7A, s1;
	s8 =	simm.s32 @!p0 $0x1BF5;
	p2 =	por !p2, p0  }
0x20: {  	[sflag:s8] =	ssyncset.s32 @!p0 $0xFFFFF086;
	s6 =	sadd.s32 @!p0 s3, s7;
	s7 =	simm.s32 @!p0 $0x108  }
0x21: {  	s3 =	sadd.s32 s3, s9;
	s6 =	sadd.s32 @!p0 $0x88, s6;
	s7 =	simm.s32 @p2 $0x1082  }
0x22: {  	[simem:s7], [sflag:s8] =	dma.local @!p0 [hbm:s6], $0xF7A  }
0x23: {  	s9 =	sor.u32 $0xD0000000, s2;
	s6 =	simm.s32 $0x108;
	_ =	swait.ge @!p0 [sflag:s8], $0x0  }
0x24: {  	s3 =	sadd.s32 $0x88, s3;
	s6 =	simm.s32 @!p1 $0x1082;
	[sflag:s4] =	ssyncset.s32 $0xFFFFF086  }
0x25: {  	[simem:s6], [sflag:s4] =	dma.local [hbm:s3], $0xF7A  }
0x26: {  	[smem:$0x3F9B] =	sst s1;
	(tag) =	ssettag s2;
	_ =	strace s9  }
0x27: {  	s1 =	sld [smem:$0x3FAB]  }
0x28: {  	s2 =	sld [smem:$0x3FAC]  }
0x29: {  	s4 =	sld [smem:$0x3FAE]  }
0x2a: {  	p0 =	seq.s32 s5, $0x0;
	s5 =	sld [smem:$0x3FAF]  }
0x2b: {  	s6 =	sld [smem:$0x3FB0]  }
0x2c: {  	s7 =	sld [smem:$0x3FB1]  }
0x2d: {  	s3 =	simm.s32 $0x108;
	s8 =	sld [smem:$0x3FB2]  }
0x2e: {  	s3 =	simm.s32 @!p0 $0x1082;
	s9 =	sld [smem:$0x3FB3]  }
0x2f: {  	lr =	sadd.s32 s0, s3;
	s0 =	sld [smem:$0x3FAA]  }
0x30: {  	s3 =	sld [smem:$0x3FAD]  }
0x31: {  	[smem:$0x3FB6] =	sst s10  }
0x32: {  	s10 =	sld [smem:$0x3FB4];
	_ =	sdelay $0x3  }
0x33: {  	p0 =	seq.s32 s10, $0x1;
	s10 =	sld [smem:$0x3FB6];
	_ =	sdelay $0x3  }
0x34: {  	[smem:$0x3FB6] =	sst s10  }
0x35: {  	s10 =	sld [smem:$0x3FB5];
	_ =	sdelay $0x3  }
0x36: {  	p1 =	seq.s32 s10, $0x1;
	s10 =	sld [smem:$0x3FB6];
	_ =	sdelay $0x3  }
0x37: {  	[smem:$0x3FB6] =	sst s10  }
0x38: {  	s10 =	sld [smem:$0x3FB7]  }
0x39: {  	_ = 	snop;
	(pc) =	sbr.ind lr, $3  }
0x3a: {  	_ = 	snop  }
0x3b: {  	_ = 	snop  }
0x3c: {  	p2 =	seq.s32 s10, $0x1;
	s10 =	sld [smem:$0x3FB6]  }
0x3d: {  	_ =	shalt  }
0x3e: {  	_ =	shalt  }
0x3f: {  	_ =	shalt  }
0x40: {  	_ =	shalt  }
0x41: {  	_ =	shalt  }
0x42: {  	_ =	shalt  }
0x43: {  	_ =	shalt  }
0x44: {  	_ =	shalt  }
0x45: {  	_ =	shalt  }
0x46: {  	_ =	shalt  }
0x47: {  	_ =	shalt  }
0x48: {  	_ =	shalt  }
0x49: {  	_ =	shalt  }
0x4a: {  	_ =	shalt  }
0x4b: {  	_ =	shalt  }
0x4c: {  	_ =	shalt  }
0x4d: {  	_ =	shalt  }
0x4e: {  	_ =	shalt  }
0x4f: {  	_ =	shalt  }
0x50: {  	_ =	shalt  }
0x51: {  	_ =	shalt  }
0x52: {  	_ =	shalt  }
0x53: {  	_ =	shalt  }
0x54: {  	_ =	shalt  }
0x55: {  	_ =	shalt  }
0x56: {  	_ =	shalt  }
0x57: {  	_ =	shalt  }
0x58: {  	_ =	shalt  }
0x59: {  	_ =	shalt  }
0x5a: {  	_ =	shalt  }
0x5b: {  	_ =	shalt  }
0x5c: {  	_ =	shalt  }
0x5d: {  	_ =	shalt  }
0x5e: {  	_ =	shalt  }
0x5f: {  	_ =	shalt  }
0x60: {  	_ =	shalt  }
0x61: {  	_ =	shalt  }
0x62: {  	_ =	shalt  }
0x63: {  	_ =	shalt  }
0x64: {  	_ =	shalt  }
0x65: {  	_ =	shalt  }
0x66: {  	_ =	shalt  }
0x67: {  	_ =	shalt  }
0x68: {  	_ =	shalt  }
0x69: {  	_ =	shalt  }
0x6a: {  	_ =	shalt  }
0x6b: {  	_ =	shalt  }
0x6c: {  	_ =	shalt  }
0x6d: {  	_ =	shalt  }
0x6e: {  	_ =	shalt  }
0x6f: {  	_ =	shalt  }
0x70: {  	_ =	shalt  }
0x71: {  	_ =	shalt  }
0x72: {  	_ =	shalt  }
0x73: {  	_ =	shalt  }
0x74: {  	_ =	shalt  }
0x75: {  	_ =	shalt  }
0x76: {  	_ =	shalt  }
0x77: {  	_ =	shalt  }
0x78: {  	_ =	shalt  }
0x79: {  	_ =	shalt  }
0x7a: {  	_ =	shalt  }
0x7b: {  	_ =	shalt  }
0x7c: {  	_ =	shalt  }
0x7d: {  	_ =	shalt  }
0x7e: {  	_ =	shalt  }
0x7f: {  	_ =	shalt  }
0x80: {  	_ =	shalt  }
0x81: {  	_ =	shalt  }
0x82: {  	_ =	shalt  }
0x83: {  	_ =	shalt  }
0x84: {  	_ =	shalt  }
0x85: {  	_ =	shalt  }
0x86: {  	_ =	shalt  }
0x87: {  	_ =	shalt  }
.Lfunc_end0:
.L_simem_size_0:
called_computation.2_lowered:
.L_overlay_start_0:
0x88: {  	s2 =	sld [smem:$0x3FD9]  }
0x89: {  	s3 =	sld [smem:$0x3FFE];
	_ =	sdelay $0x1  }
0x8a: {  	s1 =	srdreg.scid  }
0x8b: {  	s0 =	sand.u32 $0x1, s1  }
0x8c: {  	s17 =	sshll.u32 s0, $0xA;
	s2 =	sadd.s32 s3, s2  }
0x8d: {  	s2 =	sadd.s32 s2, s17  }
0x8e: {  	[smem:$0x3FC2] =	sst s2  }
0x8f: {  	_ = 	snop  }
0x90: {  	s2 =	sld [smem:$0x3FD0];
	(tm) =	ssettm $0x1  }
0x91: {  	s18 =	sld [smem:$0x3FFB];
	_ =	sdelay $0x3  }
0x92: {  	_ =	strace s18  }
0x93: {  	s3 =	sld [smem:$0x3FFC];
	_ =	sdelay $0x3  }
0x94: {  	_ =	strace s3  }
0x95: {  	s3 =	sld [smem:$0x3FFD];
	_ =	sdelay $0x3  }
0x96: {  	_ =	strace s3  }
0x97: {  	_ =	strace $0x8FFFFFFF  }
0x98: {  	s19 =	sld [smem:$0x3FDB];
	_ =	sdelay $0x1  }
0x99: {  	s4 =	simm.s32 $_scs_section_size  }
0x9a: {  	s5 =	simm.s32 $_size__tile_overlayer_lowered;
	s6 =	simm.s32 $_tile_overlayer_lowered  }
0x9b: {  	s22 =	simm.s32 $0x1BFF;
	s21 =	sshll.u32 s6, $0x1;
	s3 =	sadd.s32 s4, s19  }
0x9c: {  	s7 =	simm.s32 $0x0;
	s20 =	sshll.u32 s5, $0x1;
	s5 =	sadd.s32 s21, s3  }
0x9d: {  	[timem:s7], [sflag:s22] =	dma.local [hbm:s5], s20  }
0x9e: {  	_ =	swait.ge [sflag:s22], s20  }
0x9f: {  	s4 =	ssub.s32 $0x0, s20;
	[sflag:s22] =	ssyncset.done $0x0  }
0xa0: {  	[sflag:s22] =	ssyncadd.s32 s4;
	_ =	sdelay $0x1  }
0xa1: {  	s23 =	simm.s32 $0x1B8B  }
0xa2: {  	_ =	swait.ge [sflag:s23], $0x1  }
0xa3: {  	[sflag:s23] =	ssyncset.done $0x0  }
0xa4: {  	s25 =	simm.s32 $0x1B8E;
	s24 =	sld [smem:$0x3FFE];
	[sflag:s23] =	ssyncadd.s32 $0xFFFFFFFF  }
0xa5: {  	s26 =	simm.s32 $execute0_lowered;
	[smem:$0x3FD2] =	sst s25  }
0xa6: {  	s5 =	sshll.u32 s26, $0x1;
	_ =	strace $0x8000004C;
	[dreg:$0x1] =	wrdreg $0xFFFFFFFF  }
0xa7: {  	s28 =	simm.s32 $_size_execute0_lowered;
	s3 =	sadd.s32 s3, s5;
	[dreg:$0x0] =	wrdreg $0x0  }
0xa8: {  	s5 =	sshll.u32 s28, $0x1;
	[dreg:$0x2] =	wrdreg s3  }
0xa9: {  	[dreg:$0x3] =	wrdreg s5  }
0xaa: {  	[dreg:$0x4] =	wrdreg $0xC0  }
0xab: {  	_ =	task [dreg:s7], $0x5FFFF  }
0xac: {  	[dreg:$0x1] =	wrdreg $0xFFFFFFFF  }
0xad: {  	[dreg:$0x0] =	wrdreg $0x60  }
0xae: {  	[dreg:$0x2] =	wrdreg s24  }
0xaf: {  	[dreg:$0x3] =	wrdreg s2  }
0xb0: {  	[dreg:$0x4] =	wrdreg $0x98000  }
0xb1: {  	[dreg:$0x5] =	wrdreg $0x110000  }
0xb2: {  	[dreg:$0x6] =	wrdreg $0x9  }
0xb3: {  	_ =	task.clear_ibuf [dreg:s7], $0x7FFFF;
	_ =	strace $0x9000004C  }
0xb4: {  	s29 =	simm.s32 $0x9;
	_ =	strace $0x8000004E  }
0xb5: {  	_ =	swait.ge [sflag:s29], $0x1  }
0xb6: {  	[sflag:s29] =	ssyncadd.s32 $0xFFFFFFFF  }
0xb7: {  	_ =	strace $0x9000004E  }
0xb8: {  	_ =	sfence  }
0xb9: {  	s30 =	sld [smem:$0x0];
	_ =	sdelay $0x2  }
0xba: {  	s31 =	sshll.u32 s1, $0xD;
	s1 =	sshrl.u32 s1, $0x2  }
0xbb: {  	s3 =	sand.u32 $0x4000, s31;
	s1 =	sadd.s32 s1, s30  }
0xbc: {  	s0 =	sor.u32 s3, s0;
	s1 =	sshll.u32 s1, $0x11  }
0xbd: {  	s0 =	sor.u32 s1, s0  }
0xbe: {  	s0 =	sadd.s32 $0x8F2B, s0  }
0xbf: {  	[sflag:s0] =	ssyncadd.remote.s32 $0x1  }
0xc0: {  	_ =	sfence.sel $0xFFFF  }
0xc1: {  	[dreg:$0x0] =	wrdreg $0xFFFFFFFF;
	(pc) =	sbr.abs _section_cstart, $3  }
0xc2: {  	[dreg:$0x1] =	wrdreg $0xFFFFFFFF  }
0xc3: {  	_ =	task.clear_ibuf [dreg:s7], $0x2FFFF;
	_ =	strace $0x9FFFFFFF  }
0xc4: {  	(tm) =	ssettm $0x7FFFFFFF  }
0xc5: {  	_ =	shalt  }
tec
execute0_lowered:
.L_overlay_start_1:
0x0: {  	(tag) =	ssettag $0x1  }
0x1: {  	s0 =	rddreg [dreg:$0x0];
	s1 =	srdreg.scid  }
0x2: {  	s12 =	stileid.u32;
	s5 =	rddreg [dreg:$0x1]  }
0x3: {  	s2 =	rddreg [dreg:$0x2];
	s13 =	simm.s32 $0x7;
	s15 =	simm.s32 $0x40  }
0x4: {  	s16 =	simm.s32 $0x5000;
	s17 =	simm.s32 $0x5C00;
	s19 =	simm.s32 $0x6800  }
0x5: {  	s21 =	simm.s32 $0x7400;
	s29 =	simm.s32 $0x6;
	s31 =	simm.s32 $0x1  }
0x6: {  	s20 =	simm.s32 $0x3;
	s30 =	simm.s32 $0x0;
	s1 =	sand.u32 $0x1, s1  }
0x7: {  	s3 =	sshll.u32 s12, $0x1;
	s8 =	smul.u32 $0x7800, s12;
	s23 =	sshll.u32 s12, $0x6  }
0x8: {  	s4 =	sor.u32 s1, s3;
	s3 =	rddreg [dreg:$0x3];
	s6 =	smul.u32 $0x78000, s1  }
0x9: {  	s1 =	ssub.s32 $0x2, s1;
	s7 =	smul.u32 $0x500, s4;
	s4 =	simm.s32 $0x0  }
0xa: {  	s10 =	sshrl.u32 s8, $0x3;
	s11 =	sshrl.u32 s1, $0x1;
	s24 =	sadd.s32 s8, s2  }
0xb: {  	[smem:$0x7FF] =	sst s4;
	s6 =	sadd.s32 s8, s6;
	s10 =	sadd.s32 s10, s0  }
0xc: {  	s1 =	ssub.s32 s1, s11;
	s8 =	sadd.s32 s8, s3;
	s28 =	sshrl.u32 s24, $0x3  }
0xd: {  	s24 =	simm.s32 $0x4;
	_ =	strace $0x8000004D;
	s9 =	sadd.s32 s7, s0  }
0xe: {  	s6 =	sshrl.u32 s6, $0x3;
	s25 =	sadd.s32 $0x63C00, s10;
	[dreg:$0xb] =	wrdreg s28  }
0xf: {  	s10 =	sadd.s32 $0x72C00, s10;
	s5 =	sadd.s32 s5, s7;
	[dreg:$0x5] =	wrdreg s25  }
0x10: {  	s26 =	smax.u32 s1, $0x1;
	s14 =	sshrl.u32 s8, $0x3;
	[dreg:$0x6] =	wrdreg s10  }
0x11: {  	s0 =	sadd.s32 s6, s0;
	s6 =	sor.u32 $0x1C07, s23;
	[dreg:$0x8] =	wrdreg s5  }
0x12: {  	s9 =	sadd.s32 $0x9C00, s9;
	[dreg:$0xa] =	wrdreg s26;
	s23 =	simm.s32 $0x8000  }
0x13: {  	s25 =	simm.s32 $0x8C00;
	[dreg:$0x7] =	wrdreg s9;
	s0 =	sadd.s32 $0x81C00, s0  }
0x14: {  	s26 =	simm.s32 $0x5;
	[dreg:$0x9] =	wrdreg s0;
	s0 =	simm.s32 $0x2  }
.LBB2_1:
0x15: {  	s1 =	rddreg [dreg:$0x5]  }
0x16: {  	s5 =	rddreg [dreg:$0xb]  }
0x17: {  	[spmem:s5], [sflag:s6] =	dma.local [hbm:s1], $0xF00  }
0x18: {  	_ =	swait.ge [sflag:s13], $0xF00  }
0x19: {  	[sflag:s13] =	ssyncset.done $0x0  }
0x1a: {  	s12 =	rddreg [dreg:$0x6];
	[sflag:s13] =	ssyncadd.s32 $0xFFFFF100  }
0x1b: {  	[spmem:s14], [sflag:s6] =	dma.local [hbm:s12], $0xF00  }
0x1c: {  	_ =	swait.ge [sflag:s13], $0xF00  }
0x1d: {  	[sflag:s13] =	ssyncset.done $0x0  }
0x1e: {  	s18 =	rddreg [dreg:$0x7];
	[sflag:s13] =	ssyncadd.s32 $0xFFFFF100  }
0x1f: {  	[tilespmem:s4], [sflag:$0x7] =	stream.linear.gather [hbm4b:s18+s4], $0x2800, $0x38;
	[tilespmem:$0x18800] =	vst v63  }
0x20: {  	_ =	swait.ge [sflag:s13], $0x2800  }
0x21: {  	[sflag:s13] =	ssyncset.done $0x0  }
0x22: {  	s7 =	simm.s32 $0x2800;
	s22 =	rddreg [dreg:$0x8];
	[sflag:s13] =	ssyncadd.s32 $0xFFFFD800  }
0x23: {  	[tilespmem:s7], [sflag:$0x7] =	stream.linear.gather [hbm4b:s22+s4], $0x2800, $0x38;
	[tilespmem:$0x18800] =	vst v63  }
0x24: {  	s9 =	smul.u32 $0xAB, s4;
	_ =	swait.ge [sflag:s13], $0x2800  }
0x25: {  	[sflag:s13] =	ssyncset.done $0x0  }
0x26: {  	s1 =	sshrl.u32 s9, $0xA;
	[sflag:s13] =	ssyncadd.s32 $0xFFFFD800  }
0x27: {  	s1 =	sand.u32 $0x3F, s1;
	[bflag:$0x0] =	sbarrier.arrive $0xFFFF  }
0x28: {  	[tilespmem:s16], [sflag:$0x1] =	stream.indirect.gather [spmem:s2], $0x30, s4, s15, $0xb8;
	[tilespmem:$0x18800] =	vst v63  }
0x29: {  	s1 =	smul.u32 $0x6, s1  }
0x2a: {  	[tilespmem:s17], [sflag:$0x2] =	stream.indirect.gather [spmem:s2], $0x30, s15, s15, $0xb8;
	[tilespmem:$0x18800] =	vst v63  }
0x2b: {  	s5 =	simm.s32 $0x80;
	s1 =	ssub.s32 $0x0, s1  }
0x2c: {  	[tilespmem:s19], [sflag:$0x3] =	stream.indirect.gather [spmem:s2], $0x30, s5, s15, $0xb8;
	[tilespmem:$0x18800] =	vst v63  }
0x2d: {  	s8 =	simm.s32 $0xC0;
	s12 =	sand.u32 $0xFF, s1;
	s1 =	simm.s32 $0x1  }
0x2e: {  	[tilespmem:s21], [sflag:$0x4] =	stream.indirect.gather [spmem:s2], $0x30, s8, s15, $0xb8;
	[tilespmem:$0x18800] =	vst v63  }
0x2f: {  	s10 =	simm.s32 $0x100;
	s9 =	smul.u32 $0xAB, s1  }
0x30: {  	[tilespmem:s23], [sflag:$0x5] =	stream.indirect.gather [spmem:s2], $0x30, s10, s15, $0xb8;
	[tilespmem:$0x18800] =	vst v63  }
0x31: {  	s11 =	simm.s32 $0x140;
	s28 =	sadd.s32 $0x1, s12;
	s8 =	smul.u32 $0x3000, s12  }
0x32: {  	[tilespmem:s25], [sflag:$0x6] =	stream.indirect.gather [spmem:s2], $0x30, s11, s15, $0xb8;
	[tilespmem:$0x18800] =	vst v63  }
0x33: {  	s22 =	sshrl.u32 s9, $0xA;
	s9 =	simm.s32 $0x2;
	_ =	swait.ge [sflag:s28], $0xC00  }
0x34: {  	s18 =	sshrl.u32 s8, $0x2;
	s8 =	sand.u32 $0x3F, s22;
	[sflag:s28] =	ssyncset.done $0x0  }
0x35: {  	s5 =	sadd.s32 $0x5000, s18;
	s8 =	smul.u32 $0x6, s8;
	[sflag:s28] =	ssyncadd.s32 $0xFFFFF400  }
0x36: {  	[spmem:s3] =	stream.indirect.scatter.add.f32 [tilespmem:s5], [sflag:$0x7], $0x30, s7, s15, $0xb8;
	[tilespmem:$0x18800] =	vst v63  }
0x37: {  	s22 =	simm.s32 $0x2840;
	s18 =	simm.s32 $0x1C0;
	s7 =	simm.s32 $0x180  }
.LBB2_2:
0x38: {  	s8 =	ssub.s32 s1, s8;
	_ =	swait.ge [sflag:s13], $0xC00  }
0x39: {  	s1 =	smov.u32 s9;
	s10 =	sadd.s32 $0x1, s9;
	s11 =	smov.u32 s22  }
0x3a: {  	p0 =	sne.s32 s9, $0x99;
	s8 =	sand.u32 $0xFF, s8;
	[sflag:s13] =	ssyncset.done $0x0  }
0x3b: {  	s9 =	smul.u32 $0x3000, s8;
	s8 =	sadd.s32 $0x1, s8;
	[sflag:s13] =	ssyncadd.s32 $0xFFFFF400  }
0x3c: {  	[tilespmem:s5], [sflag:s28] =	stream.indirect.gather [spmem:s2], $0x30, s7, s15, $0xb8;
	[tilespmem:$0x18800] =	vst v63  }
0x3d: {  	s12 =	smul.u32 $0xAB, s1;
	s28 =	smov.u32 s8;
	s5 =	sshrl.u32 s9, $0x2  }
.Ltmp0:
0x3e: {  	s7 =	smov.u32 s18;
	s5 =	sadd.s32 $0x5000, s5;
	(pc) =	sbr.rel @p0 .LBB2_2-.Ltmp0, $4  }
0x3f: {  	s22 =	sadd.s32 $0x40, s22;
	s8 =	sshrl.u32 s12, $0xA;
	_ =	swait.ge [sflag:s28], $0xC00  }
0x40: {  	s18 =	sadd.s32 $0x40, s18;
	s8 =	sand.u32 $0x3F, s8;
	[sflag:s28] =	ssyncset.done $0x0  }
0x41: {  	s9 =	smov.u32 s10;
	s8 =	smul.u32 $0x6, s8;
	[sflag:s28] =	ssyncadd.s32 $0xFFFFF400  }
0x42: {  	[spmem:s3] =	stream.indirect.scatter.add.f32 [tilespmem:s5], [sflag:$0x7], $0x30, s11, s15, $0xb8;
	[tilespmem:$0x18800] =	vst v63  }
0x43: {  	_ =	swait.ge [sflag:s13], $0xC00  }
0x44: {  	s1 =	ssub.s32 s1, s8;
	[sflag:s13] =	ssyncset.done $0x0  }
0x45: {  	s1 =	sand.u32 $0xFF, s1;
	[sflag:s13] =	ssyncadd.s32 $0xFFFFF400  }
0x46: {  	[tilespmem:s5], [sflag:s28] =	stream.indirect.gather [spmem:s2], $0x30, s7, s15, $0xb8;
	[tilespmem:$0x18800] =	vst v63  }
0x47: {  	s7 =	smul.u32 $0x3000, s1;
	s1 =	sadd.s32 $0x1, s1  }
0x48: {  	_ =	swait.ge [sflag:s1], $0xC00  }
0x49: {  	s5 =	sshrl.u32 s7, $0x2;
	[sflag:s1] =	ssyncset.done $0x0  }
0x4a: {  	s5 =	sadd.s32 $0x5000, s5;
	[sflag:s1] =	ssyncadd.s32 $0xFFFFF400  }
0x4b: {  	[spmem:s3] =	stream.indirect.scatter.add.f32 [tilespmem:s5], [sflag:$0x7], $0x30, s22, s15, $0xb8;
	[tilespmem:$0x18800] =	vst v63  }
0x4c: {  	_ =	swait.ge [sflag:s13], $0xC00  }
0x4d: {  	[sflag:s13] =	ssyncset.done $0x0  }
0x4e: {  	[sflag:s13] =	ssyncadd.s32 $0xFFFFF400  }
0x4f: {  	[tilespmem:s5], [sflag:s1] =	stream.indirect.gather [spmem:s2], $0x30, s18, s15, $0xb8;
	[tilespmem:$0x18800] =	vst v63  }
0x50: {  	_ =	swait.ge [sflag:s26], $0xC00  }
0x51: {  	[sflag:s26] =	ssyncset.done $0x0  }
0x52: {  	s8 =	simm.s32 $0x4E80;
	[sflag:s26] =	ssyncadd.s32 $0xFFFFF400  }
0x53: {  	[spmem:s3] =	stream.indirect.scatter.add.f32 [tilespmem:s23], [sflag:$0x7], $0x30, s8, s15, $0xb8;
	[tilespmem:$0x18800] =	vst v63  }
0x54: {  	_ =	swait.ge [sflag:s13], $0xC00  }
0x55: {  	[sflag:s13] =	ssyncset.done $0x0  }
0x56: {  	[sflag:s13] =	ssyncadd.s32 $0xFFFFF400  }
0x57: {  	_ =	swait.ge [sflag:s29], $0xC00  }
0x58: {  	[sflag:s29] =	ssyncset.done $0x0  }
0x59: {  	s9 =	simm.s32 $0x4EC0;
	[sflag:s29] =	ssyncadd.s32 $0xFFFFF400  }
0x5a: {  	[spmem:s3] =	stream.indirect.scatter.add.f32 [tilespmem:s25], [sflag:$0x7], $0x30, s9, s15, $0xb8;
	[tilespmem:$0x18800] =	vst v63  }
0x5b: {  	_ =	swait.ge [sflag:s13], $0xC00  }
0x5c: {  	[sflag:s13] =	ssyncset.done $0x0  }
0x5d: {  	[sflag:s13] =	ssyncadd.s32 $0xFFFFF400  }
0x5e: {  	_ =	swait.ge [sflag:s31], $0xC00  }
0x5f: {  	[sflag:s31] =	ssyncset.done $0x0  }
0x60: {  	s10 =	simm.s32 $0x4F00;
	[sflag:s31] =	ssyncadd.s32 $0xFFFFF400  }
0x61: {  	[spmem:s3] =	stream.indirect.scatter.add.f32 [tilespmem:s16], [sflag:$0x7], $0x30, s10, s15, $0xb8;
	[tilespmem:$0x18800] =	vst v63  }
0x62: {  	_ =	swait.ge [sflag:s13], $0xC00  }
0x63: {  	[sflag:s13] =	ssyncset.done $0x0  }
0x64: {  	[sflag:s13] =	ssyncadd.s32 $0xFFFFF400  }
0x65: {  	_ =	swait.ge [sflag:s0], $0xC00  }
0x66: {  	[sflag:s0] =	ssyncset.done $0x0  }
0x67: {  	s11 =	simm.s32 $0x4F40;
	[sflag:s0] =	ssyncadd.s32 $0xFFFFF400  }
0x68: {  	[spmem:s3] =	stream.indirect.scatter.add.f32 [tilespmem:s17], [sflag:$0x7], $0x30, s11, s15, $0xb8;
	[tilespmem:$0x18800] =	vst v63  }
0x69: {  	_ =	swait.ge [sflag:s13], $0xC00  }
0x6a: {  	[sflag:s13] =	ssyncset.done $0x0  }
0x6b: {  	[sflag:s13] =	ssyncadd.s32 $0xFFFFF400  }
0x6c: {  	_ =	swait.ge [sflag:s20], $0xC00  }
0x6d: {  	[sflag:s20] =	ssyncset.done $0x0  }
0x6e: {  	s12 =	simm.s32 $0x4F80;
	[sflag:s20] =	ssyncadd.s32 $0xFFFFF400  }
0x6f: {  	[spmem:s3] =	stream.indirect.scatter.add.f32 [tilespmem:s19], [sflag:$0x7], $0x30, s12, s15, $0xb8;
	[tilespmem:$0x18800] =	vst v63  }
0x70: {  	_ =	swait.ge [sflag:s13], $0xC00  }
0x71: {  	[sflag:s13] =	ssyncset.done $0x0  }
0x72: {  	[sflag:s13] =	ssyncadd.s32 $0xFFFFF400  }
0x73: {  	_ =	swait.ge [sflag:s24], $0xC00  }
0x74: {  	[sflag:s24] =	ssyncset.done $0x0  }
0x75: {  	s18 =	simm.s32 $0x4FC0;
	[sflag:s24] =	ssyncadd.s32 $0xFFFFF400  }
0x76: {  	[spmem:s3] =	stream.indirect.scatter.add.f32 [tilespmem:s21], [sflag:$0x7], $0x30, s18, s15, $0xb8;
	[tilespmem:$0x18800] =	vst v63  }
0x77: {  	_ =	swait.ge [sflag:s13], $0xC00  }
0x78: {  	[sflag:s13] =	ssyncset.done $0x0  }
0x79: {  	[sflag:s13] =	ssyncadd.s32 $0xFFFFF400  }
0x7a: {  	[bflag:$0x0] =	sbarrier.arrive $0xFFFF  }
0x7b: {  	s22 =	rddreg [dreg:$0x9]  }
0x7c: {  	[hbm:s22], [sflag:s6] =	dma.local [spmem:s14], $0xF00  }
0x7d: {  	_ =	swait.ge [sflag:s13], $0xF00  }
0x7e: {  	s30 =	sadd.s32 $0x1, s30;
	s28 =	rddreg [dreg:$0xa]  }
0x7f: {  	p0 =	sne.s32 s30, s28  }
.Ltmp1:
0x80: {  	_ = 	snop;
	(pc) =	sbr.rel @p0 .LBB2_1-.Ltmp1, $3  }
0x81: {  	_ =	sdelay $0x1  }
0x82: {  	[sflag:s13] =	ssyncset.done $0x0  }
0x83: {  	[sflag:s13] =	ssyncadd.s32 $0xFFFFF100  }
0x84: {  	_ =	sfence.sel $0x180000  }
0x85: {  	[bflag:$0x0] =	sbarrier.arrive $0xFFFF  }
0x86: {  	_ =	strace $0x9000004D  }
0x87: {  	s0 =	stileid.u32;
	[bflag:$0x2] =	sbarrier.arrive $0xFFFF  }
0x88: {  	p0 =	sne.s32 s0, $0x0;
	s0 =	rddreg [dreg:$0x4]  }
0x89: {  	s0 =	sadd.s32 @!p0 $0x100000, s0  }
0x8a: {  	[sflag:s0] =	ssyncadd.tile.s32 @!p0 $0x1;
	_ =	shalt  }
.Lfunc_end2:
_tile_overlayer_lowered:
.L_overlay_start_2:
0x8b: {  	(tag) =	ssettag $0x2  }
0x8c: {  	s0 =	rddreg [dreg:$0x0];
	s2 =	stileid.u32  }
0x8d: {  	s1 =	rddreg [dreg:$0x1];
	p0 =	sne.s32 s2, $0x0  }
0x8e: {  	s3 =	rddreg [dreg:$0x2];
	[bflag:$0x3] =	sbarrier.arrive $0xFFFF;
	s2 =	simm.s32 @!p0 $0x1C07  }
0x8f: {  	[timem:s3], [sflag:s2] =	dma.local @!p0 [hbm:s0], s1  }
0x90: {  	s0 =	simm.s32 @!p0 $0x7  }
0x91: {  	_ =	swait.ge @!p0 [sflag:s0], s1  }
0x92: {  	s1 =	ssub.s32 @!p0 $0x0, s1;
	[sflag:s0] =	ssyncset.done @!p0 $0x0  }
0x93: {  	[sflag:s0] =	ssyncadd.s32 @!p0 s1  }
0x94: {  	[bflag:$0x3] =	sbarrier.arrive $0xFFFF  }
0x95: {  	_ =	shalt  }

// kernel: kernel.8.cloned.1.call-start
scs
__scs_entry_jumppad:
0x0: {  	(pc) =	sbr.rel $0x88, $3  }
0x1: {  	(tag) =	ssettag $0x0;
	lr =	simm.s32 $0x1  }
0x2: {  	[smem:$0x3F9B] =	sst lr;
	_ =	strace $0xD0000000  }
0x3: {  	_ = 	snop  }
0x4: {  	_ = 	snop  }
0x5: {  	_ = 	snop  }
0x6: {  	_ = 	snop  }
0x7: {  	_ = 	snop  }
__scs_overlays_trampoline_lowered:
0x8: {  	[smem:$0x3FAA] =	sst s0  }
0x9: {  	[smem:$0x3FAB] =	sst s1  }
0xa: {  	[smem:$0x3FAC] =	sst s2  }
0xb: {  	[smem:$0x3FAD] =	sst s3  }
0xc: {  	[smem:$0x3FAE] =	sst s4  }
0xd: {  	[smem:$0x3FAF] =	sst s5  }
0xe: {  	[smem:$0x3FB0] =	sst s6  }
0xf: {  	[smem:$0x3FB1] =	sst s7  }
0x10: {  	[smem:$0x3FB2] =	sst s8  }
0x11: {  	[smem:$0x3FB3] =	sst s9;
	s0 =	simm.s32 @!p0 $0x0  }
0x12: {  	s1 =	sld [smem:$0x3F99];
	s0 =	simm.s32 @p0 $0x1  }
0x13: {  	[smem:$0x3FB4] =	sst s0;
	s0 =	simm.s32 @!p1 $0x0  }
0x14: {  	s2 =	sld [smem:$0x3F98];
	s0 =	simm.s32 @p1 $0x1  }
0x15: {  	[smem:$0x3FB5] =	sst s0;
	s0 =	simm.s32 @!p2 $0x0  }
0x16: {  	s3 =	sld [smem:$0x3FDB];
	s0 =	simm.s32 @p2 $0x1  }
0x17: {  	s4 =	simm.s32 $0x1BF5;
	[smem:$0x3FB7] =	sst s0  }
0x18: {  	s0 =	sld [smem:$0x3F9A];
	_ =	swait.ge [sflag:s4], $0x0  }
0x19: {  	s7 =	sld [smem:$0x3F9B]  }
0x1a: {  	s8 =	sadd.s32 $0xFFFFE003, lr  }
0x1b: {  	s9 =	sadd.s32 $0xFFFFFEF7, lr;
	s5 =	simm.s32 $0xFFFFFFFF;
	p2 =	slt.u32 s8, $0xFFFFF086  }
0x1c: {  	p1 =	slt.u32 s9, $0xF7A;
	s5 =	simm.s32 @!p2 $0x0  }
0x1d: {  	s5 =	simm.s32 @p1 $0x1;
	p0 =	seq.s32 s7, s2  }
0x1e: {  	s7 =	smul.u32 @!p0 $0xF7A, s2;
	p2 =	seq.s32 @!p0 s5, $0x0  }
0x1f: {  	s9 =	smul.u32 $0xF7A, s1;
	s8 =	simm.s32 @!p0 $0x1BF5;
	p2 =	por !p2, p0  }
0x20: {  	[sflag:s8] =	ssyncset.s32 @!p0 $0xFFFFF086;
	s6 =	sadd.s32 @!p0 s3, s7;
	s7 =	simm.s32 @!p0 $0x108  }
0x21: {  	s3 =	sadd.s32 s3, s9;
	s6 =	sadd.s32 @!p0 $0x88, s6;
	s7 =	simm.s32 @p2 $0x1082  }
0x22: {  	[simem:s7], [sflag:s8] =	dma.local @!p0 [hbm:s6], $0xF7A  }
0x23: {  	s9 =	sor.u32 $0xD0000000, s2;
	s6 =	simm.s32 $0x108;
	_ =	swait.ge @!p0 [sflag:s8], $0x0  }
0x24: {  	s3 =	sadd.s32 $0x88, s3;
	s6 =	simm.s32 @!p1 $0x1082;
	[sflag:s4] =	ssyncset.s32 $0xFFFFF086  }
0x25: {  	[simem:s6], [sflag:s4] =	dma.local [hbm:s3], $0xF7A  }
0x26: {  	[smem:$0x3F9B] =	sst s1;
	(tag) =	ssettag s2;
	_ =	strace s9  }
0x27: {  	s1 =	sld [smem:$0x3FAB]  }
0x28: {  	s2 =	sld [smem:$0x3FAC]  }
0x29: {  	s4 =	sld [smem:$0x3FAE]  }
0x2a: {  	p0 =	seq.s32 s5, $0x0;
	s5 =	sld [smem:$0x3FAF]  }
0x2b: {  	s6 =	sld [smem:$0x3FB0]  }
0x2c: {  	s7 =	sld [smem:$0x3FB1]  }
0x2d: {  	s3 =	simm.s32 $0x108;
	s8 =	sld [smem:$0x3FB2]  }
0x2e: {  	s3 =	simm.s32 @!p0 $0x1082;
	s9 =	sld [smem:$0x3FB3]  }
0x2f: {  	lr =	sadd.s32 s0, s3;
	s0 =	sld [smem:$0x3FAA]  }
0x30: {  	s3 =	sld [smem:$0x3FAD]  }
0x31: {  	[smem:$0x3FB6] =	sst s10  }
0x32: {  	s10 =	sld [smem:$0x3FB4];
	_ =	sdelay $0x3  }
0x33: {  	p0 =	seq.s32 s10, $0x1;
	s10 =	sld [smem:$0x3FB6];
	_ =	sdelay $0x3  }
0x34: {  	[smem:$0x3FB6] =	sst s10  }
0x35: {  	s10 =	sld [smem:$0x3FB5];
	_ =	sdelay $0x3  }
0x36: {  	p1 =	seq.s32 s10, $0x1;
	s10 =	sld [smem:$0x3FB6];
	_ =	sdelay $0x3  }
0x37: {  	[smem:$0x3FB6] =	sst s10  }
0x38: {  	s10 =	sld [smem:$0x3FB7]  }
0x39: {  	_ = 	snop;
	(pc) =	sbr.ind lr, $3  }
0x3a: {  	_ = 	snop  }
0x3b: {  	_ = 	snop  }
0x3c: {  	p2 =	seq.s32 s10, $0x1;
	s10 =	sld [smem:$0x3FB6]  }
0x3d: {  	_ =	shalt  }
0x3e: {  	_ =	shalt  }
0x3f: {  	_ =	shalt  }
0x40: {  	_ =	shalt  }
0x41: {  	_ =	shalt  }
0x42: {  	_ =	shalt  }
0x43: {  	_ =	shalt  }
0x44: {  	_ =	shalt  }
0x45: {  	_ =	shalt  }
0x46: {  	_ =	shalt  }
0x47: {  	_ =	shalt  }
0x48: {  	_ =	shalt  }
0x49: {  	_ =	shalt  }
0x4a: {  	_ =	shalt  }
0x4b: {  	_ =	shalt  }
0x4c: {  	_ =	shalt  }
0x4d: {  	_ =	shalt  }
0x4e: {  	_ =	shalt  }
0x4f: {  	_ =	shalt  }
0x50: {  	_ =	shalt  }
0x51: {  	_ =	shalt  }
0x52: {  	_ =	shalt  }
0x53: {  	_ =	shalt  }
0x54: {  	_ =	shalt  }
0x55: {  	_ =	shalt  }
0x56: {  	_ =	shalt  }
0x57: {  	_ =	shalt  }
0x58: {  	_ =	shalt  }
0x59: {  	_ =	shalt  }
0x5a: {  	_ =	shalt  }
0x5b: {  	_ =	shalt  }
0x5c: {  	_ =	shalt  }
0x5d: {  	_ =	shalt  }
0x5e: {  	_ =	shalt  }
0x5f: {  	_ =	shalt  }
0x60: {  	_ =	shalt  }
0x61: {  	_ =	shalt  }
0x62: {  	_ =	shalt  }
0x63: {  	_ =	shalt  }
0x64: {  	_ =	shalt  }
0x65: {  	_ =	shalt  }
0x66: {  	_ =	shalt  }
0x67: {  	_ =	shalt  }
0x68: {  	_ =	shalt  }
0x69: {  	_ =	shalt  }
0x6a: {  	_ =	shalt  }
0x6b: {  	_ =	shalt  }
0x6c: {  	_ =	shalt  }
0x6d: {  	_ =	shalt  }
0x6e: {  	_ =	shalt  }
0x6f: {  	_ =	shalt  }
0x70: {  	_ =	shalt  }
0x71: {  	_ =	shalt  }
0x72: {  	_ =	shalt  }
0x73: {  	_ =	shalt  }
0x74: {  	_ =	shalt  }
0x75: {  	_ =	shalt  }
0x76: {  	_ =	shalt  }
0x77: {  	_ =	shalt  }
0x78: {  	_ =	shalt  }
0x79: {  	_ =	shalt  }
0x7a: {  	_ =	shalt  }
0x7b: {  	_ =	shalt  }
0x7c: {  	_ =	shalt  }
0x7d: {  	_ =	shalt  }
0x7e: {  	_ =	shalt  }
0x7f: {  	_ =	shalt  }
0x80: {  	_ =	shalt  }
0x81: {  	_ =	shalt  }
0x82: {  	_ =	shalt  }
0x83: {  	_ =	shalt  }
0x84: {  	_ =	shalt  }
0x85: {  	_ =	shalt  }
0x86: {  	_ =	shalt  }
0x87: {  	_ =	shalt  }
.Lfunc_end0:
.L_simem_size_0:
called_computation_lowered:
.L_overlay_start_0:
0x88: {  	s2 =	sld [smem:$0x3FD9]  }
0x89: {  	s3 =	sld [smem:$0x3FFE];
	_ =	sdelay $0x1  }
0x8a: {  	s1 =	srdreg.scid  }
0x8b: {  	s0 =	sand.u32 $0x1, s1  }
0x8c: {  	s17 =	sshll.u32 s0, $0xA;
	s2 =	sadd.s32 s3, s2  }
0x8d: {  	s2 =	sadd.s32 s2, s17  }
0x8e: {  	[smem:$0x3FC2] =	sst s2  }
0x8f: {  	_ = 	snop  }
0x90: {  	s2 =	sld [smem:$0x3FD0];
	(tm) =	ssettm $0x1  }
0x91: {  	s18 =	sld [smem:$0x3FFB];
	_ =	sdelay $0x3  }
0x92: {  	_ =	strace s18  }
0x93: {  	s3 =	sld [smem:$0x3FFC];
	_ =	sdelay $0x3  }
0x94: {  	_ =	strace s3  }
0x95: {  	s3 =	sld [smem:$0x3FFD];
	_ =	sdelay $0x3  }
0x96: {  	_ =	strace s3  }
0x97: {  	_ =	strace $0x8FFFFFFF  }
0x98: {  	s19 =	sld [smem:$0x3FDB];
	_ =	sdelay $0x1  }
0x99: {  	s4 =	simm.s32 $_scs_section_size  }
0x9a: {  	s5 =	simm.s32 $_size__tile_overlayer_lowered;
	s6 =	simm.s32 $_tile_overlayer_lowered  }
0x9b: {  	s22 =	simm.s32 $0x1BFF;
	s21 =	sshll.u32 s6, $0x1;
	s3 =	sadd.s32 s4, s19  }
0x9c: {  	s7 =	simm.s32 $0x0;
	s20 =	sshll.u32 s5, $0x1;
	s5 =	sadd.s32 s21, s3  }
0x9d: {  	[timem:s7], [sflag:s22] =	dma.local [hbm:s5], s20  }
0x9e: {  	_ =	swait.ge [sflag:s22], s20  }
0x9f: {  	s4 =	ssub.s32 $0x0, s20;
	[sflag:s22] =	ssyncset.done $0x0  }
0xa0: {  	[sflag:s22] =	ssyncadd.s32 s4;
	_ =	sdelay $0x1  }
0xa1: {  	s23 =	simm.s32 $0x1B8B  }
0xa2: {  	_ =	swait.ge [sflag:s23], $0x1  }
0xa3: {  	[sflag:s23] =	ssyncset.done $0x0  }
0xa4: {  	s25 =	simm.s32 $0x1B8E;
	s24 =	sld [smem:$0x3FFE];
	[sflag:s23] =	ssyncadd.s32 $0xFFFFFFFF  }
0xa5: {  	s26 =	simm.s32 $execute0_lowered;
	[smem:$0x3FD2] =	sst s25  }
0xa6: {  	s5 =	sshll.u32 s26, $0x1;
	_ =	strace $0x80000046;
	[dreg:$0x1] =	wrdreg $0xFFFFFFFF  }
0xa7: {  	s28 =	simm.s32 $_size_execute0_lowered;
	s3 =	sadd.s32 s3, s5;
	[dreg:$0x0] =	wrdreg $0x0  }
0xa8: {  	s5 =	sshll.u32 s28, $0x1;
	[dreg:$0x2] =	wrdreg s3  }
0xa9: {  	[dreg:$0x3] =	wrdreg s5  }
0xaa: {  	[dreg:$0x4] =	wrdreg $0xC0  }
0xab: {  	_ =	task [dreg:s7], $0x5FFFF  }
0xac: {  	[dreg:$0x1] =	wrdreg $0xFFFFFFFF  }
0xad: {  	[dreg:$0x0] =	wrdreg $0x60  }
0xae: {  	[dreg:$0x2] =	wrdreg s2  }
0xaf: {  	[dreg:$0x3] =	wrdreg s24  }
0xb0: {  	[dreg:$0x4] =	wrdreg $0x2A000  }
0xb1: {  	[dreg:$0x5] =	wrdreg $0x9  }
0xb2: {  	_ =	task.clear_ibuf [dreg:s7], $0x6FFFF;
	_ =	strace $0x90000046  }
0xb3: {  	s29 =	simm.s32 $0x9;
	_ =	strace $0x80000048  }
0xb4: {  	_ =	swait.ge [sflag:s29], $0x1  }
0xb5: {  	[sflag:s29] =	ssyncadd.s32 $0xFFFFFFFF  }
0xb6: {  	_ =	strace $0x90000048  }
0xb7: {  	_ =	sfence  }
0xb8: {  	s30 =	sld [smem:$0x0];
	_ =	sdelay $0x2  }
0xb9: {  	s31 =	sshll.u32 s1, $0xD;
	s1 =	sshrl.u32 s1, $0x2  }
0xba: {  	s3 =	sand.u32 $0x4000, s31;
	s1 =	sadd.s32 s1, s30  }
0xbb: {  	s0 =	sor.u32 s3, s0;
	s1 =	sshll.u32 s1, $0x11  }
0xbc: {  	s0 =	sor.u32 s1, s0  }
0xbd: {  	s0 =	sadd.s32 $0x8F2B, s0  }
0xbe: {  	[sflag:s0] =	ssyncadd.remote.s32 $0x1  }
0xbf: {  	_ =	sfence.sel $0xFFFF  }
0xc0: {  	[dreg:$0x0] =	wrdreg $0xFFFFFFFF;
	(pc) =	sbr.abs _section_cstart, $3  }
0xc1: {  	[dreg:$0x1] =	wrdreg $0xFFFFFFFF  }
0xc2: {  	_ =	task.clear_ibuf [dreg:s7], $0x2FFFF;
	_ =	strace $0x9FFFFFFF  }
0xc3: {  	(tm) =	ssettm $0x7FFFFFFF  }
tec
execute0_lowered:
.L_overlay_start_1:
0x0: {  	(tag) =	ssettag $0x1  }
0x1: {  	s7 =	rddreg [dreg:$0x0]  }
0x2: {  	s5 =	rddreg [dreg:$0x1]  }
0x3: {  	s2 =	rddreg [dreg:$0x2];
	s0 =	stileid.u32  }
0x4: {  	s4 =	srdreg.scid;
	s1 =	rddreg [dreg:$0x3]  }
0x5: {  	s3 =	simm.s32 $0x0;
	s14 =	simm.s32 $0x1;
	s15 =	simm.s32 $0x2  }
0x6: {  	s16 =	simm.s32 $0x3;
	s17 =	simm.s32 $0x4;
	s18 =	simm.s32 $0x5  }
0x7: {  	s19 =	simm.s32 $0x6;
	s20 =	simm.s32 $0x0;
	s6 =	smul.u32 $0x1400, s0  }
0x8: {  	s8 =	sand.u32 $0x1, s4;
	[smem:$0x7FF] =	sst s3;
	s4 =	sadd.s32 $0x4A00, s5  }
0x9: {  	s12 =	sshll.u32 s0, $0x1;
	s31 =	sshll.u32 s0, $0x6;
	s9 =	smul.u32 $0x14000, s8  }
0xa: {  	_ =	strace $0x80000047;
	s11 =	ssub.s32 $0x2, s8;
	s8 =	sor.u32 s8, s12  }
0xb: {  	s12 =	simm.s32 $0x2800;
	s29 =	sshrl.u32 s6, $0x3;
	s13 =	sshrl.u32 s11, $0x1  }
0xc: {  	s8 =	smul.u32 $0x500, s8;
	s30 =	sadd.s32 s6, s2;
	s10 =	sadd.s32 s29, s5  }
0xd: {  	s9 =	sadd.s32 s6, s9;
	s11 =	ssub.s32 s11, s13;
	s6 =	sor.u32 $0x1C07, s31  }
0xe: {  	s13 =	simm.s32 $0x40;
	s9 =	sshrl.u32 s9, $0x3;
	s7 =	sadd.s32 s7, s8  }
0xf: {  	s9 =	sadd.s32 s9, s5;
	s5 =	sadd.s32 $0x2200, s10;
	s10 =	sshrl.u32 s30, $0x3  }
0x10: {  	s8 =	sadd.s32 $0x4C00, s9;
	s9 =	smax.u32 s11, $0x1;
	s11 =	simm.s32 $0x7  }
.LBB2_1:
0x11: {  	[spmem:s10], [sflag:s6] =	dma.local [hbm:s5], $0x280  }
0x12: {  	_ =	swait.ge [sflag:s11], $0x280  }
0x13: {  	[sflag:s11] =	ssyncset.done $0x0  }
0x14: {  	s21 =	smul.u32 $0xAB, s3;
	[sflag:s11] =	ssyncadd.s32 $0xFFFFFD80  }
0x15: {  	[tilespmem:s3], [sflag:$0x7] =	stream.linear.gather [hbm4b:s7+s3], $0x2800, $0x38;
	[tilespmem:$0x3E00] =	vst v63  }
0x16: {  	s21 =	sshrl.u32 s21, $0xA;
	_ =	swait.ge [sflag:s11], $0x2800  }
0x17: {  	s21 =	sand.u32 $0x3F, s21;
	[sflag:s11] =	ssyncset.done $0x0  }
0x18: {  	s22 =	smul.u32 $0x6, s21;
	[sflag:s11] =	ssyncadd.s32 $0xFFFFD800  }
0x19: {  	[tilespmem:s12], [sflag:$0x7] =	stream.linear.gather [hbm4b:s4+s3], $0x200, $0x38;
	[tilespmem:$0x3E00] =	vst v63  }
0x1a: {  	s21 =	simm.s32 $0x1;
	_ =	swait.ge [sflag:s11], $0x200  }
0x1b: {  	s23 =	smul.u32 $0xAB, s21;
	s22 =	ssub.s32 $0x0, s22;
	[sflag:s11] =	ssyncset.done $0x0  }
0x1c: {  	p0 =	por $0x1, $0x1;
	s22 =	sand.u32 $0xFF, s22;
	[sflag:s11] =	ssyncadd.s32 $0xFFFFFE00  }
0x1d: {  	s23 =	sshrl.u32 s23, $0xA;
	s24 =	sadd.s32 @!p0 $0x1, s22;
	[bflag:$0x0] =	sbarrier.arrive $0xFFFF  }
0x1e: {  	s25 =	sand.u32 $0x3F, s23;
	s23 =	simm.s32 $0x2;
	_ =	swait.ge @!p0 [sflag:s24], $0x200  }
0x1f: {  	s26 =	sadd.s32 $0x1, s22;
	s22 =	simm.s32 $0x40;
	[sflag:s24] =	ssyncset.done @!p0 $0x0  }
0x20: {  	s25 =	smul.u32 $0x6, s25;
	[sflag:s24] =	ssyncadd.s32 @!p0 $0xFFFFFE00;
	s24 =	simm.s32 $0x0  }
.LBB2_2:
0x21: {  	[spmem:s2] =	stream.indirect.scatter.add.f32 [tilespmem:s12], [sflag:s26], $0x8, s24, s13, $0xb8;
	[tilespmem:$0x3E00] =	vst v63  }
0x22: {  	s26 =	smov.u32 s23;
	s24 =	smov.u32 s22;
	s23 =	sadd.s32 $0x1, s23  }
0x23: {  	s25 =	ssub.s32 s21, s25;
	s28 =	smul.u32 $0xAB, s26;
	p1 =	sne.s32 s23, $0xA0  }
.Ltmp0:
0x24: {  	p0 =	slt.u32 s21, $0x6;
	s29 =	sand.u32 $0xFF, s25;
	(pc) =	sbr.rel @p1 .LBB2_2-.Ltmp0, $4  }
0x25: {  	s21 =	sshrl.u32 s28, $0xA;
	s28 =	sadd.s32 @!p0 $0x1, s29  }
0x26: {  	s25 =	sand.u32 $0x3F, s21;
	_ =	swait.ge @!p0 [sflag:s28], $0x200;
	s21 =	smov.u32 s26  }
0x27: {  	s25 =	smul.u32 $0x6, s25;
	[sflag:s28] =	ssyncset.done @!p0 $0x0  }
0x28: {  	s22 =	sadd.s32 $0x40, s22;
	s26 =	sadd.s32 $0x1, s29;
	[sflag:s28] =	ssyncadd.s32 @!p0 $0xFFFFFE00  }
0x29: {  	[spmem:s2] =	stream.indirect.scatter.add.f32 [tilespmem:s12], [sflag:s26], $0x8, s24, s13, $0xb8;
	[tilespmem:$0x3E00] =	vst v63  }
0x2a: {  	s23 =	ssub.s32 s21, s25  }
0x2b: {  	p0 =	slt.u32 s21, $0x6;
	s23 =	sand.u32 $0xFF, s23  }
0x2c: {  	s21 =	sadd.s32 @!p0 $0x1, s23  }
0x2d: {  	_ =	swait.ge @!p0 [sflag:s21], $0x200  }
0x2e: {  	[sflag:s21] =	ssyncset.done @!p0 $0x0  }
0x2f: {  	s31 =	sadd.s32 $0x1, s23;
	[sflag:s21] =	ssyncadd.s32 @!p0 $0xFFFFFE00  }
0x30: {  	[spmem:s2] =	stream.indirect.scatter.add.f32 [tilespmem:s12], [sflag:s31], $0x8, s22, s13, $0xb8;
	[tilespmem:$0x3E00] =	vst v63  }
0x31: {  	_ =	swait.ge [sflag:s14], $0x200  }
0x32: {  	[sflag:s14] =	ssyncset.done $0x0  }
0x33: {  	[sflag:s14] =	ssyncadd.s32 $0xFFFFFE00  }
0x34: {  	_ =	swait.ge [sflag:s15], $0x200  }
0x35: {  	[sflag:s15] =	ssyncset.done $0x0  }
0x36: {  	[sflag:s15] =	ssyncadd.s32 $0xFFFFFE00  }
0x37: {  	_ =	swait.ge [sflag:s16], $0x200  }
0x38: {  	[sflag:s16] =	ssyncset.done $0x0  }
0x39: {  	[sflag:s16] =	ssyncadd.s32 $0xFFFFFE00  }
0x3a: {  	_ =	swait.ge [sflag:s17], $0x200  }
0x3b: {  	[sflag:s17] =	ssyncset.done $0x0  }
0x3c: {  	[sflag:s17] =	ssyncadd.s32 $0xFFFFFE00  }
0x3d: {  	_ =	swait.ge [sflag:s18], $0x200  }
0x3e: {  	[sflag:s18] =	ssyncset.done $0x0  }
0x3f: {  	[sflag:s18] =	ssyncadd.s32 $0xFFFFFE00  }
0x40: {  	_ =	swait.ge [sflag:s19], $0x200  }
0x41: {  	s20 =	sadd.s32 $0x1, s20;
	[sflag:s19] =	ssyncset.done $0x0  }
0x42: {  	p0 =	sne.s32 s20, s9;
	[sflag:s19] =	ssyncadd.s32 $0xFFFFFE00  }
.Ltmp1:
0x43: {  	[bflag:$0x0] =	sbarrier.arrive $0xFFFF;
	(pc) =	sbr.rel @p0 .LBB2_1-.Ltmp1, $4  }
0x44: {  	[hbm:s8], [sflag:s6] =	dma.local [spmem:s10], $0x280  }
0x45: {  	_ =	swait.ge [sflag:s11], $0x280  }
0x46: {  	[sflag:s11] =	ssyncset.done $0x0  }
0x47: {  	[sflag:s11] =	ssyncadd.s32 $0xFFFFFD80  }
0x48: {  	_ =	sfence.sel $0x180000  }
0x49: {  	[bflag:$0x0] =	sbarrier.arrive $0xFFFF  }
0x4a: {  	p0 =	sne.s32 s0, $0x0;
	_ =	strace $0x90000047  }
0x4b: {  	s0 =	sadd.s32 @!p0 $0x100000, s1;
	[bflag:$0x2] =	sbarrier.arrive $0xFFFF  }
0x4c: {  	[sflag:s0] =	ssyncadd.tile.s32 @!p0 $0x1;
	_ =	shalt  }
.Lfunc_end2:
_tile_overlayer_lowered:
.L_overlay_start_2:
0x4d: {  	(tag) =	ssettag $0x2  }
0x4e: {  	s0 =	rddreg [dreg:$0x0];
	s2 =	stileid.u32  }
0x4f: {  	s1 =	rddreg [dreg:$0x1];
	p0 =	sne.s32 s2, $0x0  }
0x50: {  	s3 =	rddreg [dreg:$0x2];
	[bflag:$0x3] =	sbarrier.arrive $0xFFFF;
	s2 =	simm.s32 @!p0 $0x1C07  }
0x51: {  	[timem:s3], [sflag:s2] =	dma.local @!p0 [hbm:s0], s1  }
0x52: {  	s0 =	simm.s32 @!p0 $0x7  }
0x53: {  	_ =	swait.ge @!p0 [sflag:s0], s1  }
0x54: {  	s1 =	ssub.s32 @!p0 $0x0, s1;
	[sflag:s0] =	ssyncset.done @!p0 $0x0  }
0x55: {  	[sflag:s0] =	ssyncadd.s32 @!p0 s1  }
0x56: {  	[bflag:$0x3] =	sbarrier.arrive $0xFFFF  }
0x57: {  	_ =	shalt  }

</sc_bundles>
